<compile_context>
chip_gen: v7x
topology: tpu7x:2x2x1
jax: 0.10.2.dev20260603
libtpu: 0.0.44.dev20260713+nightly
codegen_flags: <defaults>
</compile_context>

<pallas_src>
import functools

import jax
import jax.numpy as jnp
from jax import lax
from jax.experimental import pallas as pl
from jax.experimental.pallas import tpu as pltpu
from jax.experimental.pallas import tpu_sc as plsc

DIM = 128
VPAD = 128
CHUNK = 256
IDX_ROWS = CHUNK // 128
NBUF = 3


def _proj_body(t_ref, w_ref, b_ref, o_ref):
    o_ref[...] = lax.dot_general(
        t_ref[...], w_ref[...],
        (((1,), (1,)), ((), ())),
        preferred_element_type=jnp.float32,
    ) + b_ref[...]


def _compute_proj(table_pad, W, b2):
    return pl.pallas_call(
        _proj_body,
        out_shape=jax.ShapeDtypeStruct((VPAD, DIM), jnp.float32),
    )(table_pad, W, b2)


@functools.lru_cache(maxsize=None)
def _make_gather(B):
    NW = 32
    bpw = B // NW
    n_chunks = bpw // CHUNK
    idx_rows_pw = bpw // 128
    mesh = plsc.VectorSubcoreMesh(core_axis_name="c", subcore_axis_name="s")

    @functools.partial(
        pl.kernel, mesh=mesh,
        out_type=jax.ShapeDtypeStruct((B, DIM), jnp.float32),
        scratch_types=[
            pltpu.VMEM_SHARED((VPAD, DIM), jnp.float32),
            pltpu.VMEM((NBUF, IDX_ROWS, 128), jnp.int32),
            pltpu.VMEM((NBUF, CHUNK, DIM), jnp.float32),
        ]
        + [pltpu.SemaphoreType.DMA] * (NBUF * IDX_ROWS + 2 * NBUF),
    )
    def k(proj_hbm, idx_hbm, out_hbm, table_v, idx_v, rows_v, *sems):
        gsems = [sems[s * IDX_ROWS:(s + 1) * IDX_ROWS] for s in range(NBUF)]
        wsems = sems[NBUF * IDX_ROWS:NBUF * IDX_ROWS + NBUF]
        isems = sems[NBUF * IDX_ROWS + NBUF:]
        wid = lax.axis_index("s") * 2 + lax.axis_index("c")
        row0 = wid * idx_rows_pw
        base0 = wid * bpw
        max_row0 = (B // 128) - IDX_ROWS

        @pl.when(lax.axis_index("s") == 0)
        def _():
            pltpu.sync_copy(proj_hbm, table_v)

        plsc.subcore_barrier()

        def start_idx(i, s):
            row = jnp.minimum(row0 + i * IDX_ROWS, max_row0)
            pltpu.async_copy(
                idx_hbm.at[pl.ds(row, IDX_ROWS)], idx_v.at[s], isems[s])

        def wait_idx(s):
            pltpu.make_async_copy(
                idx_hbm.at[pl.ds(0, IDX_ROWS)], idx_v.at[s], isems[s]).wait()

        def start_gathers(i, s):
            for j in range(IDX_ROWS):
                pltpu.async_copy(
                    table_v.at[idx_v.at[s, j]],
                    rows_v.at[s, pl.ds(j * 128, 128)], gsems[s][j])

        def finish_chunk(p, sp):
            for j in range(IDX_ROWS):
                pltpu.make_async_copy(
                    table_v.at[idx_v.at[sp, j]],
                    rows_v.at[sp, pl.ds(j * 128, 128)], gsems[sp][j]).wait()
                pltpu.async_copy(
                    rows_v.at[sp, pl.ds(j * 128, 128)],
                    out_hbm.at[pl.ds(base0 + p * CHUNK + j * 128, 128)],
                    wsems[sp])
            start_idx(p + NBUF, sp)

        def wait_write(s):
            pltpu.make_async_copy(
                rows_v.at[s], out_hbm.at[pl.ds(base0, CHUNK)],
                wsems[s]).wait()

        for s in range(NBUF):
            start_idx(s, s)
        for s in range(NBUF):
            wait_idx(s)
            start_gathers(s, s)
            if s >= 1:
                finish_chunk(s - 1, s - 1)

        def body(t, carry):
            for s in range(NBUF):
                i = t * NBUF + s
                wait_write(s)
                wait_idx(s)
                start_gathers(i, s)
                finish_chunk(i - 1, (s - 1) % NBUF)
            return carry

        lax.fori_loop(1, n_chunks // NBUF, body, 0)
        for i in range((n_chunks // NBUF) * NBUF, n_chunks):
            s = i % NBUF
            wait_write(s)
            wait_idx(s)
            start_gathers(i, s)
            finish_chunk(i - 1, (s - 1) % NBUF)
        finish_chunk(n_chunks - 1, (n_chunks - 1) % NBUF)
        for s in range(NBUF):
            wait_write(s)
            wait_idx(s)

    return k


def kernel(x, emb_table, W, b):
    Bsz, L = x.shape
    V, D = emb_table.shape
    table_pad = jnp.zeros((VPAD, D), emb_table.dtype).at[:V].set(emb_table)
    proj = _compute_proj(table_pad, W, b.reshape(1, D))
    xf = x.reshape(-1).astype(jnp.int32)
    B = xf.shape[0]
    idx2 = xf.reshape(B // 128, 128)
    out = _make_gather(B)(proj, idx2)
    return out.reshape(Bsz, L, D)

# --- scband reference (transcript-rebuilt; emitter-appended) ---
"""Pipeline reference for scband-simple-model-1632087572533 (READ-ONLY COPY).

The authoritative reference and input builder live on the scoring server;
editing this copy changes nothing except your own understanding.
"""

import jax, jax.numpy as jnp
import numpy as np

DIM = 128
VOCAB = 100
BATCH = 16384
HIST = 200


def setup_inputs(seed: int = 0) -> dict:
    key = jax.random.key(seed)
    k_idx, k_emb, k_w, k_b = jax.random.split(key, 4)
    x = jax.random.randint(k_idx, (BATCH, HIST), 0, VOCAB, dtype=jnp.int64 if jax.config.jax_enable_x64 else jnp.int32)
    # learned params: embedding table [100, dim], linear weight [dim, dim], bias [dim]
    emb_table = jax.random.normal(k_emb, (VOCAB, DIM), dtype=jnp.float32)
    # torch nn.Linear init scale ~ U(-1/sqrt(in), 1/sqrt(in)); use normal scaled for reference
    W = jax.random.normal(k_w, (DIM, DIM), dtype=jnp.float32) * (1.0 / np.sqrt(DIM))
    b = jax.random.normal(k_b, (DIM,), dtype=jnp.float32) * (1.0 / np.sqrt(DIM))
    return {"x": x, "emb_table": emb_table, "W": W, "b": b}


def reference(x, emb_table, W, b):
    # embedding lookup -> gather rows of table (SparseCore-friendly)
    emb = jnp.take(emb_table, x, axis=0)            # [B, L, dim]
    # torch Linear: y = emb @ W.T + b
    out = jnp.einsum("bld,od->blo", emb, W) + b      # [B, L, dim]
    return out

if __name__ == "__main__":
    import jax
    _d = setup_inputs()
    print(jax.jit(kernel)(*tuple(_d.values())))

</pallas_src>

<mosaic_0001>
#map = affine_map<(d0, d1) -> (0, 0)>
module attributes {stable_mosaic.version = 14 : i64} {
  func.func @k(%arg0: i32, %arg1: i32, %arg2: memref<128x128xf32, #tpu.memory_space<hbm>>, %arg3: memref<25600x128xi32, #tpu.memory_space<hbm>>, %arg4: memref<3276800x128xf32, #tpu.memory_space<hbm>>, %arg5: memref<128x128xf32, #tpu.memory_space<vmem_shared>>, %arg6: memref<3x2x128xi32, #tpu.memory_space<vmem>>, %arg7: memref<3x256x128xf32, #tpu.memory_space<vmem>>, %arg8: memref<!tpu.dma_semaphore, #tpu.memory_space<semaphore_mem>>, %arg9: memref<!tpu.dma_semaphore, #tpu.memory_space<semaphore_mem>>, %arg10: memref<!tpu.dma_semaphore, #tpu.memory_space<semaphore_mem>>, %arg11: memref<!tpu.dma_semaphore, #tpu.memory_space<semaphore_mem>>, %arg12: memref<!tpu.dma_semaphore, #tpu.memory_space<semaphore_mem>>, %arg13: memref<!tpu.dma_semaphore, #tpu.memory_space<semaphore_mem>>, %arg14: memref<!tpu.dma_semaphore, #tpu.memory_space<semaphore_mem>>, %arg15: memref<!tpu.dma_semaphore, #tpu.memory_space<semaphore_mem>>, %arg16: memref<!tpu.dma_semaphore, #tpu.memory_space<semaphore_mem>>, %arg17: memref<!tpu.dma_semaphore, #tpu.memory_space<semaphore_mem>>, %arg18: memref<!tpu.dma_semaphore, #tpu.memory_space<semaphore_mem>>, %arg19: memref<!tpu.dma_semaphore, #tpu.memory_space<semaphore_mem>>) attributes {dimension_semantics = [#tpu.dimension_semantics<core_parallel>, #tpu.dimension_semantics<subcore_parallel>], iteration_bounds = array<i64: 2, 16>, scalar_prefetch = 0 : i64, scratch_operands = 15 : i64, tpu.core_type = #tpu.core_type<sc_vector_subcore>, window_params = [{transform_indices = #map}, {transform_indices = #map}, {transform_indices = #map}]} {
    %mul3A = arith.constant 2 : i32
    %mul3A_0 = arith.muli %arg1, %mul3A : i32
    %add3A = arith.addi %mul3A_0, %arg0 : i32
    %mul3A_1 = arith.constant 800 : i32
    %mul3A_2 = arith.muli %add3A, %mul3A_1 : i32
    %mul3A_3 = arith.constant 102400 : i32
    %mul3A_4 = arith.muli %add3A, %mul3A_3 : i32
    %eq3A = arith.constant 0 : i32
    %eq3A_5 = arith.cmpi eq, %arg1, %eq3A : i32
    %convert_element_type3A = arith.extui %eq3A_5 : i1 to i32
    %cond3A = arith.constant 0 : i32
    %cond3A_6 = arith.cmpi ne, %convert_element_type3A, %cond3A : i32
    scf.if %cond3A_6 {
      "tpu.region"() ({
        %run_scoped3A = tpu.sem_alloc : memref<!tpu.dma_semaphore, #tpu.memory_space<semaphore_mem>>
        tpu.enqueue_dma source(%arg2 : memref<128x128xf32, #tpu.memory_space<hbm>>) target(%arg5 : memref<128x128xf32, #tpu.memory_space<vmem_shared>>) target_semaphore(%run_scoped3A : memref<!tpu.dma_semaphore, #tpu.memory_space<semaphore_mem>>)
        tpu.wait_dma2 semaphore(%run_scoped3A : memref<!tpu.dma_semaphore, #tpu.memory_space<semaphore_mem>>) src(%arg2 : memref<128x128xf32, #tpu.memory_space<hbm>>) dst(%arg5 : memref<128x128xf32, #tpu.memory_space<vmem_shared>>)
        tpu.yield
      }) : () -> ()
    } else {
    }
    %barrier3A = arith.constant 0 : index
    tpu.barrier barrier_id(%barrier3A)
    %add3A_7 = arith.constant 0 : i32
    %add3A_8 = arith.addi %mul3A_2, %add3A_7 : i32
    %min3A = arith.constant 25598 : i32
    %min3A_9 = arith.minsi %add3A_8, %min3A : i32
    %dma_start3A = arith.constant 0 : i32
    %dma_start3A_10 = arith.constant 0 : i32
    %dma_start3A_11 = arith.constant 0 : i32
    %dma_start3A_12 = tpu.memref_slice %arg6[%dma_start3A, %dma_start3A_10, %dma_start3A_11] : memref<3x2x128xi32, #tpu.memory_space<vmem>> -> memref<1x2x128xi32, #tpu.memory_space<vmem>>
    %dma_start3A_13 = tpu.memref_squeeze %dma_start3A_12 : memref<1x2x128xi32, #tpu.memory_space<vmem>> -> memref<2x128xi32, #tpu.memory_space<vmem>>
    %dma_start3A_14 = arith.constant 0 : i32
    %dma_start3A_15 = tpu.memref_slice %arg3[%min3A_9, %dma_start3A_14] : memref<25600x128xi32, #tpu.memory_space<hbm>> -> memref<2x128xi32, #tpu.memory_space<hbm>>
    %dma_start3A_16 = arith.constant 0 : i32
    %dma_start3A_17 = arith.constant 0 : i32
    %dma_start3A_18 = tpu.memref_slice %arg6[%dma_start3A, %dma_start3A_16, %dma_start3A_17] : memref<3x2x128xi32, #tpu.memory_space<vmem>> -> memref<1x2x128xi32, #tpu.memory_space<vmem>>
    %dma_start3A_19 = tpu.memref_squeeze %dma_start3A_18 : memref<1x2x128xi32, #tpu.memory_space<vmem>> -> memref<2x128xi32, #tpu.memory_space<vmem>>
    %dma_start3A_20 = arith.constant 0 : i32
    %dma_start3A_21 = tpu.memref_slice %arg3[%min3A_9, %dma_start3A_20] : memref<25600x128xi32, #tpu.memory_space<hbm>> -> memref<2x128xi32, #tpu.memory_space<hbm>>
    tpu.enqueue_dma source(%dma_start3A_21 : memref<2x128xi32, #tpu.memory_space<hbm>>) target(%dma_start3A_19 : memref<2x128xi32, #tpu.memory_space<vmem>>) target_semaphore(%arg17 : memref<!tpu.dma_semaphore, #tpu.memory_space<semaphore_mem>>)
    %add3A_22 = arith.constant 2 : i32
    %add3A_23 = arith.addi %mul3A_2, %add3A_22 : i32
    %min3A_24 = arith.constant 25598 : i32
    %min3A_25 = arith.minsi %add3A_23, %min3A_24 : i32
    %dma_start3A_26 = arith.constant 1 : i32
    %dma_start3A_27 = arith.constant 0 : i32
    %dma_start3A_28 = arith.constant 0 : i32
    %dma_start3A_29 = tpu.memref_slice %arg6[%dma_start3A_26, %dma_start3A_27, %dma_start3A_28] : memref<3x2x128xi32, #tpu.memory_space<vmem>> -> memref<1x2x128xi32, #tpu.memory_space<vmem>>
    %dma_start3A_30 = tpu.memref_squeeze %dma_start3A_29 : memref<1x2x128xi32, #tpu.memory_space<vmem>> -> memref<2x128xi32, #tpu.memory_space<vmem>>
    %dma_start3A_31 = arith.constant 0 : i32
    %dma_start3A_32 = tpu.memref_slice %arg3[%min3A_25, %dma_start3A_31] : memref<25600x128xi32, #tpu.memory_space<hbm>> -> memref<2x128xi32, #tpu.memory_space<hbm>>
    %dma_start3A_33 = arith.constant 0 : i32
    %dma_start3A_34 = arith.constant 0 : i32
    %dma_start3A_35 = tpu.memref_slice %arg6[%dma_start3A_26, %dma_start3A_33, %dma_start3A_34] : memref<3x2x128xi32, #tpu.memory_space<vmem>> -> memref<1x2x128xi32, #tpu.memory_space<vmem>>
    %dma_start3A_36 = tpu.memref_squeeze %dma_start3A_35 : memref<1x2x128xi32, #tpu.memory_space<vmem>> -> memref<2x128xi32, #tpu.memory_space<vmem>>
    %dma_start3A_37 = arith.constant 0 : i32
    %dma_start3A_38 = tpu.memref_slice %arg3[%min3A_25, %dma_start3A_37] : memref<25600x128xi32, #tpu.memory_space<hbm>> -> memref<2x128xi32, #tpu.memory_space<hbm>>
    tpu.enqueue_dma source(%dma_start3A_38 : memref<2x128xi32, #tpu.memory_space<hbm>>) target(%dma_start3A_36 : memref<2x128xi32, #tpu.memory_space<vmem>>) target_semaphore(%arg18 : memref<!tpu.dma_semaphore, #tpu.memory_space<semaphore_mem>>)
    %add3A_39 = arith.constant 4 : i32
    %add3A_40 = arith.addi %mul3A_2, %add3A_39 : i32
    %min3A_41 = arith.constant 25598 : i32
    %min3A_42 = arith.minsi %add3A_40, %min3A_41 : i32
    %dma_start3A_43 = arith.constant 2 : i32
    %dma_start3A_44 = arith.constant 0 : i32
    %dma_start3A_45 = arith.constant 0 : i32
    %dma_start3A_46 = tpu.memref_slice %arg6[%dma_start3A_43, %dma_start3A_44, %dma_start3A_45] : memref<3x2x128xi32, #tpu.memory_space<vmem>> -> memref<1x2x128xi32, #tpu.memory_space<vmem>>
    %dma_start3A_47 = tpu.memref_squeeze %dma_start3A_46 : memref<1x2x128xi32, #tpu.memory_space<vmem>> -> memref<2x128xi32, #tpu.memory_space<vmem>>
    %dma_start3A_48 = arith.constant 0 : i32
    %dma_start3A_49 = tpu.memref_slice %arg3[%min3A_42, %dma_start3A_48] : memref<25600x128xi32, #tpu.memory_space<hbm>> -> memref<2x128xi32, #tpu.memory_space<hbm>>
    %dma_start3A_50 = arith.constant 0 : i32
    %dma_start3A_51 = arith.constant 0 : i32
    %dma_start3A_52 = tpu.memref_slice %arg6[%dma_start3A_43, %dma_start3A_50, %dma_start3A_51] : memref<3x2x128xi32, #tpu.memory_space<vmem>> -> memref<1x2x128xi32, #tpu.memory_space<vmem>>
    %dma_start3A_53 = tpu.memref_squeeze %dma_start3A_52 : memref<1x2x128xi32, #tpu.memory_space<vmem>> -> memref<2x128xi32, #tpu.memory_space<vmem>>
    %dma_start3A_54 = arith.constant 0 : i32
    %dma_start3A_55 = tpu.memref_slice %arg3[%min3A_42, %dma_start3A_54] : memref<25600x128xi32, #tpu.memory_space<hbm>> -> memref<2x128xi32, #tpu.memory_space<hbm>>
    tpu.enqueue_dma source(%dma_start3A_55 : memref<2x128xi32, #tpu.memory_space<hbm>>) target(%dma_start3A_53 : memref<2x128xi32, #tpu.memory_space<vmem>>) target_semaphore(%arg19 : memref<!tpu.dma_semaphore, #tpu.memory_space<semaphore_mem>>)
    %dma_wait3A = arith.constant 0 : i32
    %dma_wait3A_56 = arith.constant 0 : i32
    %dma_wait3A_57 = arith.constant 0 : i32
    %dma_wait3A_58 = tpu.memref_slice %arg6[%dma_wait3A, %dma_wait3A_56, %dma_wait3A_57] : memref<3x2x128xi32, #tpu.memory_space<vmem>> -> memref<1x2x128xi32, #tpu.memory_space<vmem>>
    %dma_wait3A_59 = tpu.memref_squeeze %dma_wait3A_58 : memref<1x2x128xi32, #tpu.memory_space<vmem>> -> memref<2x128xi32, #tpu.memory_space<vmem>>
    %dma_wait3A_60 = arith.constant 0 : i32
    %dma_wait3A_61 = arith.constant 0 : i32
    %dma_wait3A_62 = tpu.memref_slice %arg3[%dma_wait3A_60, %dma_wait3A_61] : memref<25600x128xi32, #tpu.memory_space<hbm>> -> memref<2x128xi32, #tpu.memory_space<hbm>>
    %dma_wait3A_63 = arith.constant 0 : i32
    %dma_wait3A_64 = arith.constant 0 : i32
    %dma_wait3A_65 = tpu.memref_slice %arg6[%dma_wait3A, %dma_wait3A_63, %dma_wait3A_64] : memref<3x2x128xi32, #tpu.memory_space<vmem>> -> memref<1x2x128xi32, #tpu.memory_space<vmem>>
    %dma_wait3A_66 = tpu.memref_squeeze %dma_wait3A_65 : memref<1x2x128xi32, #tpu.memory_space<vmem>> -> memref<2x128xi32, #tpu.memory_space<vmem>>
    %dma_wait3A_67 = arith.constant 0 : i32
    %dma_wait3A_68 = arith.constant 0 : i32
    %dma_wait3A_69 = tpu.memref_slice %arg3[%dma_wait3A_67, %dma_wait3A_68] : memref<25600x128xi32, #tpu.memory_space<hbm>> -> memref<2x128xi32, #tpu.memory_space<hbm>>
    tpu.wait_dma2 semaphore(%arg17 : memref<!tpu.dma_semaphore, #tpu.memory_space<semaphore_mem>>) src(%dma_wait3A_69 : memref<2x128xi32, #tpu.memory_space<hbm>>) dst(%dma_wait3A_66 : memref<2x128xi32, #tpu.memory_space<vmem>>)
    %dma_start3A_70 = arith.constant 0 : i32
    %dma_start3A_71 = arith.constant 0 : i32
    %dma_start3A_72 = arith.constant 0 : i32
    %dma_start3A_73 = arith.constant 0 : i32
    %dma_start3A_74 = arith.constant 0 : i32
    %dma_start3A_75 = tpu.memref_slice %arg7[%dma_start3A_72, %dma_start3A_73, %dma_start3A_74] : memref<3x256x128xf32, #tpu.memory_space<vmem>> -> memref<1x128x128xf32, #tpu.memory_space<vmem>>
    %dma_start3A_76 = tpu.memref_squeeze %dma_start3A_75 : memref<1x128x128xf32, #tpu.memory_space<vmem>> -> memref<128x128xf32, #tpu.memory_space<vmem>>
    %dma_start3A_77 = arith.constant 0 : i32
    %dma_start3A_78 = tpu.memref_slice %arg6[%dma_start3A_70, %dma_start3A_71, %dma_start3A_77] : memref<3x2x128xi32, #tpu.memory_space<vmem>> -> memref<1x1x128xi32, #tpu.memory_space<vmem>>
    %dma_start3A_79 = tpu.memref_squeeze %dma_start3A_78 : memref<1x1x128xi32, #tpu.memory_space<vmem>> -> memref<128xi32, #tpu.memory_space<vmem>>
    %dma_start3A_80 = arith.constant 0 : i32
    %dma_start3A_81 = arith.constant 0 : i32
    %dma_start3A_82 = tpu.memref_slice %arg5[%dma_start3A_80, %dma_start3A_81] : memref<128x128xf32, #tpu.memory_space<vmem_shared>> -> memref<128x128xf32, #tpu.memory_space<vmem_shared>>
    tpu.enqueue_indirect_dma source(%dma_start3A_82 : memref<128x128xf32, #tpu.memory_space<vmem_shared>>) target(%dma_start3A_76 : memref<128x128xf32, #tpu.memory_space<vmem>>) offsets(%dma_start3A_79 : memref<128xi32, #tpu.memory_space<vmem>>) semaphore(%arg8 : memref<!tpu.dma_semaphore, #tpu.memory_space<semaphore_mem>>)
    %dma_start3A_83 = arith.constant 0 : i32
    %dma_start3A_84 = arith.constant 1 : i32
    %dma_start3A_85 = arith.constant 0 : i32
    %dma_start3A_86 = arith.constant 128 : i32
    %dma_start3A_87 = arith.constant 0 : i32
    %dma_start3A_88 = tpu.memref_slice %arg7[%dma_start3A_85, %dma_start3A_86, %dma_start3A_87] : memref<3x256x128xf32, #tpu.memory_space<vmem>> -> memref<1x128x128xf32, #tpu.memory_space<vmem>>
    %dma_start3A_89 = tpu.memref_squeeze %dma_start3A_88 : memref<1x128x128xf32, #tpu.memory_space<vmem>> -> memref<128x128xf32, #tpu.memory_space<vmem>>
    %dma_start3A_90 = arith.constant 0 : i32
    %dma_start3A_91 = tpu.memref_slice %arg6[%dma_start3A_83, %dma_start3A_84, %dma_start3A_90] : memref<3x2x128xi32, #tpu.memory_space<vmem>> -> memref<1x1x128xi32, #tpu.memory_space<vmem>>
    %dma_start3A_92 = tpu.memref_squeeze %dma_start3A_91 : memref<1x1x128xi32, #tpu.memory_space<vmem>> -> memref<128xi32, #tpu.memory_space<vmem>>
    %dma_start3A_93 = arith.constant 0 : i32
    %dma_start3A_94 = arith.constant 0 : i32
    %dma_start3A_95 = tpu.memref_slice %arg5[%dma_start3A_93, %dma_start3A_94] : memref<128x128xf32, #tpu.memory_space<vmem_shared>> -> memref<128x128xf32, #tpu.memory_space<vmem_shared>>
    tpu.enqueue_indirect_dma source(%dma_start3A_95 : memref<128x128xf32, #tpu.memory_space<vmem_shared>>) target(%dma_start3A_89 : memref<128x128xf32, #tpu.memory_space<vmem>>) offsets(%dma_start3A_92 : memref<128xi32, #tpu.memory_space<vmem>>) semaphore(%arg9 : memref<!tpu.dma_semaphore, #tpu.memory_space<semaphore_mem>>)
    %dma_wait3A_96 = arith.constant 1 : i32
    %dma_wait3A_97 = arith.constant 0 : i32
    %dma_wait3A_98 = arith.constant 0 : i32
    %dma_wait3A_99 = tpu.memref_slice %arg6[%dma_wait3A_96, %dma_wait3A_97, %dma_wait3A_98] : memref<3x2x128xi32, #tpu.memory_space<vmem>> -> memref<1x2x128xi32, #tpu.memory_space<vmem>>
    %dma_wait3A_100 = tpu.memref_squeeze %dma_wait3A_99 : memref<1x2x128xi32, #tpu.memory_space<vmem>> -> memref<2x128xi32, #tpu.memory_space<vmem>>
    %dma_wait3A_101 = arith.constant 0 : i32
    %dma_wait3A_102 = arith.constant 0 : i32
    %dma_wait3A_103 = tpu.memref_slice %arg3[%dma_wait3A_101, %dma_wait3A_102] : memref<25600x128xi32, #tpu.memory_space<hbm>> -> memref<2x128xi32, #tpu.memory_space<hbm>>
    %dma_wait3A_104 = arith.constant 0 : i32
    %dma_wait3A_105 = arith.constant 0 : i32
    %dma_wait3A_106 = tpu.memref_slice %arg6[%dma_wait3A_96, %dma_wait3A_104, %dma_wait3A_105] : memref<3x2x128xi32, #tpu.memory_space<vmem>> -> memref<1x2x128xi32, #tpu.memory_space<vmem>>
    %dma_wait3A_107 = tpu.memref_squeeze %dma_wait3A_106 : memref<1x2x128xi32, #tpu.memory_space<vmem>> -> memref<2x128xi32, #tpu.memory_space<vmem>>
    %dma_wait3A_108 = arith.constant 0 : i32
    %dma_wait3A_109 = arith.constant 0 : i32
    %dma_wait3A_110 = tpu.memref_slice %arg3[%dma_wait3A_108, %dma_wait3A_109] : memref<25600x128xi32, #tpu.memory_space<hbm>> -> memref<2x128xi32, #tpu.memory_space<hbm>>
    tpu.wait_dma2 semaphore(%arg18 : memref<!tpu.dma_semaphore, #tpu.memory_space<semaphore_mem>>) src(%dma_wait3A_110 : memref<2x128xi32, #tpu.memory_space<hbm>>) dst(%dma_wait3A_107 : memref<2x128xi32, #tpu.memory_space<vmem>>)
    %dma_start3A_111 = arith.constant 1 : i32
    %dma_start3A_112 = arith.constant 0 : i32
    %dma_start3A_113 = arith.constant 1 : i32
    %dma_start3A_114 = arith.constant 0 : i32
    %dma_start3A_115 = arith.constant 0 : i32
    %dma_start3A_116 = tpu.memref_slice %arg7[%dma_start3A_113, %dma_start3A_114, %dma_start3A_115] : memref<3x256x128xf32, #tpu.memory_space<vmem>> -> memref<1x128x128xf32, #tpu.memory_space<vmem>>
    %dma_start3A_117 = tpu.memref_squeeze %dma_start3A_116 : memref<1x128x128xf32, #tpu.memory_space<vmem>> -> memref<128x128xf32, #tpu.memory_space<vmem>>
    %dma_start3A_118 = arith.constant 0 : i32
    %dma_start3A_119 = tpu.memref_slice %arg6[%dma_start3A_111, %dma_start3A_112, %dma_start3A_118] : memref<3x2x128xi32, #tpu.memory_space<vmem>> -> memref<1x1x128xi32, #tpu.memory_space<vmem>>
    %dma_start3A_120 = tpu.memref_squeeze %dma_start3A_119 : memref<1x1x128xi32, #tpu.memory_space<vmem>> -> memref<128xi32, #tpu.memory_space<vmem>>
    %dma_start3A_121 = arith.constant 0 : i32
    %dma_start3A_122 = arith.constant 0 : i32
    %dma_start3A_123 = tpu.memref_slice %arg5[%dma_start3A_121, %dma_start3A_122] : memref<128x128xf32, #tpu.memory_space<vmem_shared>> -> memref<128x128xf32, #tpu.memory_space<vmem_shared>>
    tpu.enqueue_indirect_dma source(%dma_start3A_123 : memref<128x128xf32, #tpu.memory_space<vmem_shared>>) target(%dma_start3A_117 : memref<128x128xf32, #tpu.memory_space<vmem>>) offsets(%dma_start3A_120 : memref<128xi32, #tpu.memory_space<vmem>>) semaphore(%arg10 : memref<!tpu.dma_semaphore, #tpu.memory_space<semaphore_mem>>)
    %dma_start3A_124 = arith.constant 1 : i32
    %dma_start3A_125 = arith.constant 1 : i32
    %dma_start3A_126 = arith.constant 1 : i32
    %dma_start3A_127 = arith.constant 128 : i32
    %dma_start3A_128 = arith.constant 0 : i32
    %dma_start3A_129 = tpu.memref_slice %arg7[%dma_start3A_126, %dma_start3A_127, %dma_start3A_128] : memref<3x256x128xf32, #tpu.memory_space<vmem>> -> memref<1x128x128xf32, #tpu.memory_space<vmem>>
    %dma_start3A_130 = tpu.memref_squeeze %dma_start3A_129 : memref<1x128x128xf32, #tpu.memory_space<vmem>> -> memref<128x128xf32, #tpu.memory_space<vmem>>
    %dma_start3A_131 = arith.constant 0 : i32
    %dma_start3A_132 = tpu.memref_slice %arg6[%dma_start3A_124, %dma_start3A_125, %dma_start3A_131] : memref<3x2x128xi32, #tpu.memory_space<vmem>> -> memref<1x1x128xi32, #tpu.memory_space<vmem>>
    %dma_start3A_133 = tpu.memref_squeeze %dma_start3A_132 : memref<1x1x128xi32, #tpu.memory_space<vmem>> -> memref<128xi32, #tpu.memory_space<vmem>>
    %dma_start3A_134 = arith.constant 0 : i32
    %dma_start3A_135 = arith.constant 0 : i32
    %dma_start3A_136 = tpu.memref_slice %arg5[%dma_start3A_134, %dma_start3A_135] : memref<128x128xf32, #tpu.memory_space<vmem_shared>> -> memref<128x128xf32, #tpu.memory_space<vmem_shared>>
    tpu.enqueue_indirect_dma source(%dma_start3A_136 : memref<128x128xf32, #tpu.memory_space<vmem_shared>>) target(%dma_start3A_130 : memref<128x128xf32, #tpu.memory_space<vmem>>) offsets(%dma_start3A_133 : memref<128xi32, #tpu.memory_space<vmem>>) semaphore(%arg11 : memref<!tpu.dma_semaphore, #tpu.memory_space<semaphore_mem>>)
    %dma_wait3A_137 = arith.constant 0 : i32
    %dma_wait3A_138 = arith.constant 0 : i32
    %dma_wait3A_139 = arith.constant 0 : i32
    %dma_wait3A_140 = arith.constant 0 : i32
    %dma_wait3A_141 = arith.constant 0 : i32
    %dma_wait3A_142 = tpu.memref_slice %arg7[%dma_wait3A_139, %dma_wait3A_140, %dma_wait3A_141] : memref<3x256x128xf32, #tpu.memory_space<vmem>> -> memref<1x128x128xf32, #tpu.memory_space<vmem>>
    %dma_wait3A_143 = tpu.memref_squeeze %dma_wait3A_142 : memref<1x128x128xf32, #tpu.memory_space<vmem>> -> memref<128x128xf32, #tpu.memory_space<vmem>>
    %dma_wait3A_144 = arith.constant 0 : i32
    %dma_wait3A_145 = tpu.memref_slice %arg6[%dma_wait3A_137, %dma_wait3A_138, %dma_wait3A_144] : memref<3x2x128xi32, #tpu.memory_space<vmem>> -> memref<1x1x128xi32, #tpu.memory_space<vmem>>
    %dma_wait3A_146 = tpu.memref_squeeze %dma_wait3A_145 : memref<1x1x128xi32, #tpu.memory_space<vmem>> -> memref<128xi32, #tpu.memory_space<vmem>>
    %dma_wait3A_147 = arith.constant 0 : i32
    %dma_wait3A_148 = arith.constant 0 : i32
    %dma_wait3A_149 = tpu.memref_slice %arg5[%dma_wait3A_147, %dma_wait3A_148] : memref<128x128xf32, #tpu.memory_space<vmem_shared>> -> memref<128x128xf32, #tpu.memory_space<vmem_shared>>
    tpu.wait_indirect_dma semaphore(%arg8 : memref<!tpu.dma_semaphore, #tpu.memory_space<semaphore_mem>>) src(%dma_wait3A_149 : memref<128x128xf32, #tpu.memory_space<vmem_shared>>) dst(%dma_wait3A_143 : memref<128x128xf32, #tpu.memory_space<vmem>>)
    %add3A_150 = arith.constant 0 : i32
    %add3A_151 = arith.addi %mul3A_4, %add3A_150 : i32
    %add3A_152 = arith.constant 0 : i32
    %add3A_153 = arith.addi %add3A_151, %add3A_152 : i32
    %dma_start3A_154 = arith.constant 0 : i32
    %dma_start3A_155 = arith.constant 0 : i32
    %dma_start3A_156 = arith.constant 0 : i32
    %dma_start3A_157 = tpu.memref_slice %arg7[%dma_start3A_154, %dma_start3A_155, %dma_start3A_156] : memref<3x256x128xf32, #tpu.memory_space<vmem>> -> memref<1x128x128xf32, #tpu.memory_space<vmem>>
    %dma_start3A_158 = tpu.memref_squeeze %dma_start3A_157 : memref<1x128x128xf32, #tpu.memory_space<vmem>> -> memref<128x128xf32, #tpu.memory_space<vmem>>
    %dma_start3A_159 = arith.constant 0 : i32
    %dma_start3A_160 = tpu.memref_slice %arg4[%add3A_153, %dma_start3A_159] : memref<3276800x128xf32, #tpu.memory_space<hbm>> -> memref<128x128xf32, #tpu.memory_space<hbm>>
    %dma_start3A_161 = arith.constant 0 : i32
    %dma_start3A_162 = tpu.memref_slice %arg4[%add3A_153, %dma_start3A_161] : memref<3276800x128xf32, #tpu.memory_space<hbm>> -> memref<128x128xf32, #tpu.memory_space<hbm>>
    %dma_start3A_163 = arith.constant 0 : i32
    %dma_start3A_164 = arith.constant 0 : i32
    %dma_start3A_165 = tpu.memref_slice %arg7[%dma_start3A_154, %dma_start3A_163, %dma_start3A_164] : memref<3x256x128xf32, #tpu.memory_space<vmem>> -> memref<1x128x128xf32, #tpu.memory_space<vmem>>
    %dma_start3A_166 = tpu.memref_squeeze %dma_start3A_165 : memref<1x128x128xf32, #tpu.memory_space<vmem>> -> memref<128x128xf32, #tpu.memory_space<vmem>>
    tpu.enqueue_dma source(%dma_start3A_166 : memref<128x128xf32, #tpu.memory_space<vmem>>) target(%dma_start3A_162 : memref<128x128xf32, #tpu.memory_space<hbm>>) target_semaphore(%arg14 : memref<!tpu.dma_semaphore, #tpu.memory_space<semaphore_mem>>)
    %dma_wait3A_167 = arith.constant 0 : i32
    %dma_wait3A_168 = arith.constant 1 : i32
    %dma_wait3A_169 = arith.constant 0 : i32
    %dma_wait3A_170 = arith.constant 128 : i32
    %dma_wait3A_171 = arith.constant 0 : i32
    %dma_wait3A_172 = tpu.memref_slice %arg7[%dma_wait3A_169, %dma_wait3A_170, %dma_wait3A_171] : memref<3x256x128xf32, #tpu.memory_space<vmem>> -> memref<1x128x128xf32, #tpu.memory_space<vmem>>
    %dma_wait3A_173 = tpu.memref_squeeze %dma_wait3A_172 : memref<1x128x128xf32, #tpu.memory_space<vmem>> -> memref<128x128xf32, #tpu.memory_space<vmem>>
    %dma_wait3A_174 = arith.constant 0 : i32
    %dma_wait3A_175 = tpu.memref_slice %arg6[%dma_wait3A_167, %dma_wait3A_168, %dma_wait3A_174] : memref<3x2x128xi32, #tpu.memory_space<vmem>> -> memref<1x1x128xi32, #tpu.memory_space<vmem>>
    %dma_wait3A_176 = tpu.memref_squeeze %dma_wait3A_175 : memref<1x1x128xi32, #tpu.memory_space<vmem>> -> memref<128xi32, #tpu.memory_space<vmem>>
    %dma_wait3A_177 = arith.constant 0 : i32
    %dma_wait3A_178 = arith.constant 0 : i32
    %dma_wait3A_179 = tpu.memref_slice %arg5[%dma_wait3A_177, %dma_wait3A_178] : memref<128x128xf32, #tpu.memory_space<vmem_shared>> -> memref<128x128xf32, #tpu.memory_space<vmem_shared>>
    tpu.wait_indirect_dma semaphore(%arg9 : memref<!tpu.dma_semaphore, #tpu.memory_space<semaphore_mem>>) src(%dma_wait3A_179 : memref<128x128xf32, #tpu.memory_space<vmem_shared>>) dst(%dma_wait3A_173 : memref<128x128xf32, #tpu.memory_space<vmem>>)
    %add3A_180 = arith.constant 0 : i32
    %add3A_181 = arith.addi %mul3A_4, %add3A_180 : i32
    %add3A_182 = arith.constant 128 : i32
    %add3A_183 = arith.addi %add3A_181, %add3A_182 : i32
    %dma_start3A_184 = arith.constant 0 : i32
    %dma_start3A_185 = arith.constant 128 : i32
    %dma_start3A_186 = arith.constant 0 : i32
    %dma_start3A_187 = tpu.memref_slice %arg7[%dma_start3A_184, %dma_start3A_185, %dma_start3A_186] : memref<3x256x128xf32, #tpu.memory_space<vmem>> -> memref<1x128x128xf32, #tpu.memory_space<vmem>>
    %dma_start3A_188 = tpu.memref_squeeze %dma_start3A_187 : memref<1x128x128xf32, #tpu.memory_space<vmem>> -> memref<128x128xf32, #tpu.memory_space<vmem>>
    %dma_start3A_189 = arith.constant 0 : i32
    %dma_start3A_190 = tpu.memref_slice %arg4[%add3A_183, %dma_start3A_189] : memref<3276800x128xf32, #tpu.memory_space<hbm>> -> memref<128x128xf32, #tpu.memory_space<hbm>>
    %dma_start3A_191 = arith.constant 0 : i32
    %dma_start3A_192 = tpu.memref_slice %arg4[%add3A_183, %dma_start3A_191] : memref<3276800x128xf32, #tpu.memory_space<hbm>> -> memref<128x128xf32, #tpu.memory_space<hbm>>
    %dma_start3A_193 = arith.constant 128 : i32
    %dma_start3A_194 = arith.constant 0 : i32
    %dma_start3A_195 = tpu.memref_slice %arg7[%dma_start3A_184, %dma_start3A_193, %dma_start3A_194] : memref<3x256x128xf32, #tpu.memory_space<vmem>> -> memref<1x128x128xf32, #tpu.memory_space<vmem>>
    %dma_start3A_196 = tpu.memref_squeeze %dma_start3A_195 : memref<1x128x128xf32, #tpu.memory_space<vmem>> -> memref<128x128xf32, #tpu.memory_space<vmem>>
    tpu.enqueue_dma source(%dma_start3A_196 : memref<128x128xf32, #tpu.memory_space<vmem>>) target(%dma_start3A_192 : memref<128x128xf32, #tpu.memory_space<hbm>>) target_semaphore(%arg14 : memref<!tpu.dma_semaphore, #tpu.memory_space<semaphore_mem>>)
    %add3A_197 = arith.constant 6 : i32
    %add3A_198 = arith.addi %mul3A_2, %add3A_197 : i32
    %min3A_199 = arith.constant 25598 : i32
    %min3A_200 = arith.minsi %add3A_198, %min3A_199 : i32
    %dma_start3A_201 = arith.constant 0 : i32
    %dma_start3A_202 = arith.constant 0 : i32
    %dma_start3A_203 = arith.constant 0 : i32
    %dma_start3A_204 = tpu.memref_slice %arg6[%dma_start3A_201, %dma_start3A_202, %dma_start3A_203] : memref<3x2x128xi32, #tpu.memory_space<vmem>> -> memref<1x2x128xi32, #tpu.memory_space<vmem>>
    %dma_start3A_205 = tpu.memref_squeeze %dma_start3A_204 : memref<1x2x128xi32, #tpu.memory_space<vmem>> -> memref<2x128xi32, #tpu.memory_space<vmem>>
    %dma_start3A_206 = arith.constant 0 : i32
    %dma_start3A_207 = tpu.memref_slice %arg3[%min3A_200, %dma_start3A_206] : memref<25600x128xi32, #tpu.memory_space<hbm>> -> memref<2x128xi32, #tpu.memory_space<hbm>>
    %dma_start3A_208 = arith.constant 0 : i32
    %dma_start3A_209 = arith.constant 0 : i32
    %dma_start3A_210 = tpu.memref_slice %arg6[%dma_start3A_201, %dma_start3A_208, %dma_start3A_209] : memref<3x2x128xi32, #tpu.memory_space<vmem>> -> memref<1x2x128xi32, #tpu.memory_space<vmem>>
    %dma_start3A_211 = tpu.memref_squeeze %dma_start3A_210 : memref<1x2x128xi32, #tpu.memory_space<vmem>> -> memref<2x128xi32, #tpu.memory_space<vmem>>
    %dma_start3A_212 = arith.constant 0 : i32
    %dma_start3A_213 = tpu.memref_slice %arg3[%min3A_200, %dma_start3A_212] : memref<25600x128xi32, #tpu.memory_space<hbm>> -> memref<2x128xi32, #tpu.memory_space<hbm>>
    tpu.enqueue_dma source(%dma_start3A_213 : memref<2x128xi32, #tpu.memory_space<hbm>>) target(%dma_start3A_211 : memref<2x128xi32, #tpu.memory_space<vmem>>) target_semaphore(%arg17 : memref<!tpu.dma_semaphore, #tpu.memory_space<semaphore_mem>>)
    %dma_wait3A_214 = arith.constant 2 : i32
    %dma_wait3A_215 = arith.constant 0 : i32
    %dma_wait3A_216 = arith.constant 0 : i32
    %dma_wait3A_217 = tpu.memref_slice %arg6[%dma_wait3A_214, %dma_wait3A_215, %dma_wait3A_216] : memref<3x2x128xi32, #tpu.memory_space<vmem>> -> memref<1x2x128xi32, #tpu.memory_space<vmem>>
    %dma_wait3A_218 = tpu.memref_squeeze %dma_wait3A_217 : memref<1x2x128xi32, #tpu.memory_space<vmem>> -> memref<2x128xi32, #tpu.memory_space<vmem>>
    %dma_wait3A_219 = arith.constant 0 : i32
    %dma_wait3A_220 = arith.constant 0 : i32
    %dma_wait3A_221 = tpu.memref_slice %arg3[%dma_wait3A_219, %dma_wait3A_220] : memref<25600x128xi32, #tpu.memory_space<hbm>> -> memref<2x128xi32, #tpu.memory_space<hbm>>
    %dma_wait3A_222 = arith.constant 0 : i32
    %dma_wait3A_223 = arith.constant 0 : i32
    %dma_wait3A_224 = tpu.memref_slice %arg6[%dma_wait3A_214, %dma_wait3A_222, %dma_wait3A_223] : memref<3x2x128xi32, #tpu.memory_space<vmem>> -> memref<1x2x128xi32, #tpu.memory_space<vmem>>
    %dma_wait3A_225 = tpu.memref_squeeze %dma_wait3A_224 : memref<1x2x128xi32, #tpu.memory_space<vmem>> -> memref<2x128xi32, #tpu.memory_space<vmem>>
    %dma_wait3A_226 = arith.constant 0 : i32
    %dma_wait3A_227 = arith.constant 0 : i32
    %dma_wait3A_228 = tpu.memref_slice %arg3[%dma_wait3A_226, %dma_wait3A_227] : memref<25600x128xi32, #tpu.memory_space<hbm>> -> memref<2x128xi32, #tpu.memory_space<hbm>>
    tpu.wait_dma2 semaphore(%arg19 : memref<!tpu.dma_semaphore, #tpu.memory_space<semaphore_mem>>) src(%dma_wait3A_228 : memref<2x128xi32, #tpu.memory_space<hbm>>) dst(%dma_wait3A_225 : memref<2x128xi32, #tpu.memory_space<vmem>>)
    %dma_start3A_229 = arith.constant 2 : i32
    %dma_start3A_230 = arith.constant 0 : i32
    %dma_start3A_231 = arith.constant 2 : i32
    %dma_start3A_232 = arith.constant 0 : i32
    %dma_start3A_233 = arith.constant 0 : i32
    %dma_start3A_234 = tpu.memref_slice %arg7[%dma_start3A_231, %dma_start3A_232, %dma_start3A_233] : memref<3x256x128xf32, #tpu.memory_space<vmem>> -> memref<1x128x128xf32, #tpu.memory_space<vmem>>
    %dma_start3A_235 = tpu.memref_squeeze %dma_start3A_234 : memref<1x128x128xf32, #tpu.memory_space<vmem>> -> memref<128x128xf32, #tpu.memory_space<vmem>>
    %dma_start3A_236 = arith.constant 0 : i32
    %dma_start3A_237 = tpu.memref_slice %arg6[%dma_start3A_229, %dma_start3A_230, %dma_start3A_236] : memref<3x2x128xi32, #tpu.memory_space<vmem>> -> memref<1x1x128xi32, #tpu.memory_space<vmem>>
    %dma_start3A_238 = tpu.memref_squeeze %dma_start3A_237 : memref<1x1x128xi32, #tpu.memory_space<vmem>> -> memref<128xi32, #tpu.memory_space<vmem>>
    %dma_start3A_239 = arith.constant 0 : i32
    %dma_start3A_240 = arith.constant 0 : i32
    %dma_start3A_241 = tpu.memref_slice %arg5[%dma_start3A_239, %dma_start3A_240] : memref<128x128xf32, #tpu.memory_space<vmem_shared>> -> memref<128x128xf32, #tpu.memory_space<vmem_shared>>
    tpu.enqueue_indirect_dma source(%dma_start3A_241 : memref<128x128xf32, #tpu.memory_space<vmem_shared>>) target(%dma_start3A_235 : memref<128x128xf32, #tpu.memory_space<vmem>>) offsets(%dma_start3A_238 : memref<128xi32, #tpu.memory_space<vmem>>) semaphore(%arg12 : memref<!tpu.dma_semaphore, #tpu.memory_space<semaphore_mem>>)
    %dma_start3A_242 = arith.constant 2 : i32
    %dma_start3A_243 = arith.constant 1 : i32
    %dma_start3A_244 = arith.constant 2 : i32
    %dma_start3A_245 = arith.constant 128 : i32
    %dma_start3A_246 = arith.constant 0 : i32
    %dma_start3A_247 = tpu.memref_slice %arg7[%dma_start3A_244, %dma_start3A_245, %dma_start3A_246] : memref<3x256x128xf32, #tpu.memory_space<vmem>> -> memref<1x128x128xf32, #tpu.memory_space<vmem>>
    %dma_start3A_248 = tpu.memref_squeeze %dma_start3A_247 : memref<1x128x128xf32, #tpu.memory_space<vmem>> -> memref<128x128xf32, #tpu.memory_space<vmem>>
    %dma_start3A_249 = arith.constant 0 : i32
    %dma_start3A_250 = tpu.memref_slice %arg6[%dma_start3A_242, %dma_start3A_243, %dma_start3A_249] : memref<3x2x128xi32, #tpu.memory_space<vmem>> -> memref<1x1x128xi32, #tpu.memory_space<vmem>>
    %dma_start3A_251 = tpu.memref_squeeze %dma_start3A_250 : memref<1x1x128xi32, #tpu.memory_space<vmem>> -> memref<128xi32, #tpu.memory_space<vmem>>
    %dma_start3A_252 = arith.constant 0 : i32
    %dma_start3A_253 = arith.constant 0 : i32
    %dma_start3A_254 = tpu.memref_slice %arg5[%dma_start3A_252, %dma_start3A_253] : memref<128x128xf32, #tpu.memory_space<vmem_shared>> -> memref<128x128xf32, #tpu.memory_space<vmem_shared>>
    tpu.enqueue_indirect_dma source(%dma_start3A_254 : memref<128x128xf32, #tpu.memory_space<vmem_shared>>) target(%dma_start3A_248 : memref<128x128xf32, #tpu.memory_space<vmem>>) offsets(%dma_start3A_251 : memref<128xi32, #tpu.memory_space<vmem>>) semaphore(%arg13 : memref<!tpu.dma_semaphore, #tpu.memory_space<semaphore_mem>>)
    %dma_wait3A_255 = arith.constant 1 : i32
    %dma_wait3A_256 = arith.constant 0 : i32
    %dma_wait3A_257 = arith.constant 1 : i32
    %dma_wait3A_258 = arith.constant 0 : i32
    %dma_wait3A_259 = arith.constant 0 : i32
    %dma_wait3A_260 = tpu.memref_slice %arg7[%dma_wait3A_257, %dma_wait3A_258, %dma_wait3A_259] : memref<3x256x128xf32, #tpu.memory_space<vmem>> -> memref<1x128x128xf32, #tpu.memory_space<vmem>>
    %dma_wait3A_261 = tpu.memref_squeeze %dma_wait3A_260 : memref<1x128x128xf32, #tpu.memory_space<vmem>> -> memref<128x128xf32, #tpu.memory_space<vmem>>
    %dma_wait3A_262 = arith.constant 0 : i32
    %dma_wait3A_263 = tpu.memref_slice %arg6[%dma_wait3A_255, %dma_wait3A_256, %dma_wait3A_262] : memref<3x2x128xi32, #tpu.memory_space<vmem>> -> memref<1x1x128xi32, #tpu.memory_space<vmem>>
    %dma_wait3A_264 = tpu.memref_squeeze %dma_wait3A_263 : memref<1x1x128xi32, #tpu.memory_space<vmem>> -> memref<128xi32, #tpu.memory_space<vmem>>
    %dma_wait3A_265 = arith.constant 0 : i32
    %dma_wait3A_266 = arith.constant 0 : i32
    %dma_wait3A_267 = tpu.memref_slice %arg5[%dma_wait3A_265, %dma_wait3A_266] : memref<128x128xf32, #tpu.memory_space<vmem_shared>> -> memref<128x128xf32, #tpu.memory_space<vmem_shared>>
    tpu.wait_indirect_dma semaphore(%arg10 : memref<!tpu.dma_semaphore, #tpu.memory_space<semaphore_mem>>) src(%dma_wait3A_267 : memref<128x128xf32, #tpu.memory_space<vmem_shared>>) dst(%dma_wait3A_261 : memref<128x128xf32, #tpu.memory_space<vmem>>)
    %add3A_268 = arith.constant 256 : i32
    %add3A_269 = arith.addi %mul3A_4, %add3A_268 : i32
    %add3A_270 = arith.constant 0 : i32
    %add3A_271 = arith.addi %add3A_269, %add3A_270 : i32
    %dma_start3A_272 = arith.constant 1 : i32
    %dma_start3A_273 = arith.constant 0 : i32
    %dma_start3A_274 = arith.constant 0 : i32
    %dma_start3A_275 = tpu.memref_slice %arg7[%dma_start3A_272, %dma_start3A_273, %dma_start3A_274] : memref<3x256x128xf32, #tpu.memory_space<vmem>> -> memref<1x128x128xf32, #tpu.memory_space<vmem>>
    %dma_start3A_276 = tpu.memref_squeeze %dma_start3A_275 : memref<1x128x128xf32, #tpu.memory_space<vmem>> -> memref<128x128xf32, #tpu.memory_space<vmem>>
    %dma_start3A_277 = arith.constant 0 : i32
    %dma_start3A_278 = tpu.memref_slice %arg4[%add3A_271, %dma_start3A_277] : memref<3276800x128xf32, #tpu.memory_space<hbm>> -> memref<128x128xf32, #tpu.memory_space<hbm>>
    %dma_start3A_279 = arith.constant 0 : i32
    %dma_start3A_280 = tpu.memref_slice %arg4[%add3A_271, %dma_start3A_279] : memref<3276800x128xf32, #tpu.memory_space<hbm>> -> memref<128x128xf32, #tpu.memory_space<hbm>>
    %dma_start3A_281 = arith.constant 0 : i32
    %dma_start3A_282 = arith.constant 0 : i32
    %dma_start3A_283 = tpu.memref_slice %arg7[%dma_start3A_272, %dma_start3A_281, %dma_start3A_282] : memref<3x256x128xf32, #tpu.memory_space<vmem>> -> memref<1x128x128xf32, #tpu.memory_space<vmem>>
    %dma_start3A_284 = tpu.memref_squeeze %dma_start3A_283 : memref<1x128x128xf32, #tpu.memory_space<vmem>> -> memref<128x128xf32, #tpu.memory_space<vmem>>
    tpu.enqueue_dma source(%dma_start3A_284 : memref<128x128xf32, #tpu.memory_space<vmem>>) target(%dma_start3A_280 : memref<128x128xf32, #tpu.memory_space<hbm>>) target_semaphore(%arg15 : memref<!tpu.dma_semaphore, #tpu.memory_space<semaphore_mem>>)
    %dma_wait3A_285 = arith.constant 1 : i32
    %dma_wait3A_286 = arith.constant 1 : i32
    %dma_wait3A_287 = arith.constant 1 : i32
    %dma_wait3A_288 = arith.constant 128 : i32
    %dma_wait3A_289 = arith.constant 0 : i32
    %dma_wait3A_290 = tpu.memref_slice %arg7[%dma_wait3A_287, %dma_wait3A_288, %dma_wait3A_289] : memref<3x256x128xf32, #tpu.memory_space<vmem>> -> memref<1x128x128xf32, #tpu.memory_space<vmem>>
    %dma_wait3A_291 = tpu.memref_squeeze %dma_wait3A_290 : memref<1x128x128xf32, #tpu.memory_space<vmem>> -> memref<128x128xf32, #tpu.memory_space<vmem>>
    %dma_wait3A_292 = arith.constant 0 : i32
    %dma_wait3A_293 = tpu.memref_slice %arg6[%dma_wait3A_285, %dma_wait3A_286, %dma_wait3A_292] : memref<3x2x128xi32, #tpu.memory_space<vmem>> -> memref<1x1x128xi32, #tpu.memory_space<vmem>>
    %dma_wait3A_294 = tpu.memref_squeeze %dma_wait3A_293 : memref<1x1x128xi32, #tpu.memory_space<vmem>> -> memref<128xi32, #tpu.memory_space<vmem>>
    %dma_wait3A_295 = arith.constant 0 : i32
    %dma_wait3A_296 = arith.constant 0 : i32
    %dma_wait3A_297 = tpu.memref_slice %arg5[%dma_wait3A_295, %dma_wait3A_296] : memref<128x128xf32, #tpu.memory_space<vmem_shared>> -> memref<128x128xf32, #tpu.memory_space<vmem_shared>>
    tpu.wait_indirect_dma semaphore(%arg11 : memref<!tpu.dma_semaphore, #tpu.memory_space<semaphore_mem>>) src(%dma_wait3A_297 : memref<128x128xf32, #tpu.memory_space<vmem_shared>>) dst(%dma_wait3A_291 : memref<128x128xf32, #tpu.memory_space<vmem>>)
    %add3A_298 = arith.constant 256 : i32
    %add3A_299 = arith.addi %mul3A_4, %add3A_298 : i32
    %add3A_300 = arith.constant 128 : i32
    %add3A_301 = arith.addi %add3A_299, %add3A_300 : i32
    %dma_start3A_302 = arith.constant 1 : i32
    %dma_start3A_303 = arith.constant 128 : i32
    %dma_start3A_304 = arith.constant 0 : i32
    %dma_start3A_305 = tpu.memref_slice %arg7[%dma_start3A_302, %dma_start3A_303, %dma_start3A_304] : memref<3x256x128xf32, #tpu.memory_space<vmem>> -> memref<1x128x128xf32, #tpu.memory_space<vmem>>
    %dma_start3A_306 = tpu.memref_squeeze %dma_start3A_305 : memref<1x128x128xf32, #tpu.memory_space<vmem>> -> memref<128x128xf32, #tpu.memory_space<vmem>>
    %dma_start3A_307 = arith.constant 0 : i32
    %dma_start3A_308 = tpu.memref_slice %arg4[%add3A_301, %dma_start3A_307] : memref<3276800x128xf32, #tpu.memory_space<hbm>> -> memref<128x128xf32, #tpu.memory_space<hbm>>
    %dma_start3A_309 = arith.constant 0 : i32
    %dma_start3A_310 = tpu.memref_slice %arg4[%add3A_301, %dma_start3A_309] : memref<3276800x128xf32, #tpu.memory_space<hbm>> -> memref<128x128xf32, #tpu.memory_space<hbm>>
    %dma_start3A_311 = arith.constant 128 : i32
    %dma_start3A_312 = arith.constant 0 : i32
    %dma_start3A_313 = tpu.memref_slice %arg7[%dma_start3A_302, %dma_start3A_311, %dma_start3A_312] : memref<3x256x128xf32, #tpu.memory_space<vmem>> -> memref<1x128x128xf32, #tpu.memory_space<vmem>>
    %dma_start3A_314 = tpu.memref_squeeze %dma_start3A_313 : memref<1x128x128xf32, #tpu.memory_space<vmem>> -> memref<128x128xf32, #tpu.memory_space<vmem>>
    tpu.enqueue_dma source(%dma_start3A_314 : memref<128x128xf32, #tpu.memory_space<vmem>>) target(%dma_start3A_310 : memref<128x128xf32, #tpu.memory_space<hbm>>) target_semaphore(%arg15 : memref<!tpu.dma_semaphore, #tpu.memory_space<semaphore_mem>>)
    %add3A_315 = arith.constant 8 : i32
    %add3A_316 = arith.addi %mul3A_2, %add3A_315 : i32
    %min3A_317 = arith.constant 25598 : i32
    %min3A_318 = arith.minsi %add3A_316, %min3A_317 : i32
    %dma_start3A_319 = arith.constant 1 : i32
    %dma_start3A_320 = arith.constant 0 : i32
    %dma_start3A_321 = arith.constant 0 : i32
    %dma_start3A_322 = tpu.memref_slice %arg6[%dma_start3A_319, %dma_start3A_320, %dma_start3A_321] : memref<3x2x128xi32, #tpu.memory_space<vmem>> -> memref<1x2x128xi32, #tpu.memory_space<vmem>>
    %dma_start3A_323 = tpu.memref_squeeze %dma_start3A_322 : memref<1x2x128xi32, #tpu.memory_space<vmem>> -> memref<2x128xi32, #tpu.memory_space<vmem>>
    %dma_start3A_324 = arith.constant 0 : i32
    %dma_start3A_325 = tpu.memref_slice %arg3[%min3A_318, %dma_start3A_324] : memref<25600x128xi32, #tpu.memory_space<hbm>> -> memref<2x128xi32, #tpu.memory_space<hbm>>
    %dma_start3A_326 = arith.constant 0 : i32
    %dma_start3A_327 = arith.constant 0 : i32
    %dma_start3A_328 = tpu.memref_slice %arg6[%dma_start3A_319, %dma_start3A_326, %dma_start3A_327] : memref<3x2x128xi32, #tpu.memory_space<vmem>> -> memref<1x2x128xi32, #tpu.memory_space<vmem>>
    %dma_start3A_329 = tpu.memref_squeeze %dma_start3A_328 : memref<1x2x128xi32, #tpu.memory_space<vmem>> -> memref<2x128xi32, #tpu.memory_space<vmem>>
    %dma_start3A_330 = arith.constant 0 : i32
    %dma_start3A_331 = tpu.memref_slice %arg3[%min3A_318, %dma_start3A_330] : memref<25600x128xi32, #tpu.memory_space<hbm>> -> memref<2x128xi32, #tpu.memory_space<hbm>>
    tpu.enqueue_dma source(%dma_start3A_331 : memref<2x128xi32, #tpu.memory_space<hbm>>) target(%dma_start3A_329 : memref<2x128xi32, #tpu.memory_space<vmem>>) target_semaphore(%arg18 : memref<!tpu.dma_semaphore, #tpu.memory_space<semaphore_mem>>)
    %scan3A = arith.constant 0 : i32
    %scan3A_332 = arith.constant 1 : i32
    %scan3A_333 = arith.constant 132 : i32
    %scan3A_334 = arith.addi %scan3A_332, %scan3A_333 : i32
    %scan3A_335 = arith.constant 1 : i32
    scf.for %scan3A_629 = %scan3A_332 to %scan3A_334 step %scan3A_335  : i32 {
      %mul3A_630 = arith.constant 3 : i32
      %mul3A_631 = arith.muli %scan3A_629, %mul3A_630 : i32
      %add3A_632 = arith.constant 0 : i32
      %add3A_633 = arith.addi %mul3A_631, %add3A_632 : i32
      %dma_wait3A_634 = arith.constant 0 : i32
      %dma_wait3A_635 = arith.constant 0 : i32
      %dma_wait3A_636 = arith.constant 0 : i32
      %dma_wait3A_637 = tpu.memref_slice %arg7[%dma_wait3A_634, %dma_wait3A_635, %dma_wait3A_636] : memref<3x256x128xf32, #tpu.memory_space<vmem>> -> memref<1x256x128xf32, #tpu.memory_space<vmem>>
      %dma_wait3A_638 = tpu.memref_squeeze %dma_wait3A_637 : memref<1x256x128xf32, #tpu.memory_space<vmem>> -> memref<256x128xf32, #tpu.memory_space<vmem>>
      %dma_wait3A_639 = arith.constant 0 : i32
      %dma_wait3A_640 = tpu.memref_slice %arg4[%mul3A_4, %dma_wait3A_639] : memref<3276800x128xf32, #tpu.memory_space<hbm>> -> memref<256x128xf32, #tpu.memory_space<hbm>>
      %dma_wait3A_641 = arith.constant 0 : i32
      %dma_wait3A_642 = tpu.memref_slice %arg4[%mul3A_4, %dma_wait3A_641] : memref<3276800x128xf32, #tpu.memory_space<hbm>> -> memref<256x128xf32, #tpu.memory_space<hbm>>
      %dma_wait3A_643 = arith.constant 0 : i32
      %dma_wait3A_644 = arith.constant 0 : i32
      %dma_wait3A_645 = tpu.memref_slice %arg7[%dma_wait3A_634, %dma_wait3A_643, %dma_wait3A_644] : memref<3x256x128xf32, #tpu.memory_space<vmem>> -> memref<1x256x128xf32, #tpu.memory_space<vmem>>
      %dma_wait3A_646 = tpu.memref_squeeze %dma_wait3A_645 : memref<1x256x128xf32, #tpu.memory_space<vmem>> -> memref<256x128xf32, #tpu.memory_space<vmem>>
      tpu.wait_dma2 semaphore(%arg14 : memref<!tpu.dma_semaphore, #tpu.memory_space<semaphore_mem>>) src(%dma_wait3A_646 : memref<256x128xf32, #tpu.memory_space<vmem>>) dst(%dma_wait3A_642 : memref<256x128xf32, #tpu.memory_space<hbm>>)
      %dma_wait3A_647 = arith.constant 0 : i32
      %dma_wait3A_648 = arith.constant 0 : i32
      %dma_wait3A_649 = arith.constant 0 : i32
      %dma_wait3A_650 = tpu.memref_slice %arg6[%dma_wait3A_647, %dma_wait3A_648, %dma_wait3A_649] : memref<3x2x128xi32, #tpu.memory_space<vmem>> -> memref<1x2x128xi32, #tpu.memory_space<vmem>>
      %dma_wait3A_651 = tpu.memref_squeeze %dma_wait3A_650 : memref<1x2x128xi32, #tpu.memory_space<vmem>> -> memref<2x128xi32, #tpu.memory_space<vmem>>
      %dma_wait3A_652 = arith.constant 0 : i32
      %dma_wait3A_653 = arith.constant 0 : i32
      %dma_wait3A_654 = tpu.memref_slice %arg3[%dma_wait3A_652, %dma_wait3A_653] : memref<25600x128xi32, #tpu.memory_space<hbm>> -> memref<2x128xi32, #tpu.memory_space<hbm>>
      %dma_wait3A_655 = arith.constant 0 : i32
      %dma_wait3A_656 = arith.constant 0 : i32
      %dma_wait3A_657 = tpu.memref_slice %arg6[%dma_wait3A_647, %dma_wait3A_655, %dma_wait3A_656] : memref<3x2x128xi32, #tpu.memory_space<vmem>> -> memref<1x2x128xi32, #tpu.memory_space<vmem>>
      %dma_wait3A_658 = tpu.memref_squeeze %dma_wait3A_657 : memref<1x2x128xi32, #tpu.memory_space<vmem>> -> memref<2x128xi32, #tpu.memory_space<vmem>>
      %dma_wait3A_659 = arith.constant 0 : i32
      %dma_wait3A_660 = arith.constant 0 : i32
      %dma_wait3A_661 = tpu.memref_slice %arg3[%dma_wait3A_659, %dma_wait3A_660] : memref<25600x128xi32, #tpu.memory_space<hbm>> -> memref<2x128xi32, #tpu.memory_space<hbm>>
      tpu.wait_dma2 semaphore(%arg17 : memref<!tpu.dma_semaphore, #tpu.memory_space<semaphore_mem>>) src(%dma_wait3A_661 : memref<2x128xi32, #tpu.memory_space<hbm>>) dst(%dma_wait3A_658 : memref<2x128xi32, #tpu.memory_space<vmem>>)
      %dma_start3A_662 = arith.constant 0 : i32
      %dma_start3A_663 = arith.constant 0 : i32
      %dma_start3A_664 = arith.constant 0 : i32
      %dma_start3A_665 = arith.constant 0 : i32
      %dma_start3A_666 = arith.constant 0 : i32
      %dma_start3A_667 = tpu.memref_slice %arg7[%dma_start3A_664, %dma_start3A_665, %dma_start3A_666] : memref<3x256x128xf32, #tpu.memory_space<vmem>> -> memref<1x128x128xf32, #tpu.memory_space<vmem>>
      %dma_start3A_668 = tpu.memref_squeeze %dma_start3A_667 : memref<1x128x128xf32, #tpu.memory_space<vmem>> -> memref<128x128xf32, #tpu.memory_space<vmem>>
      %dma_start3A_669 = arith.constant 0 : i32
      %dma_start3A_670 = tpu.memref_slice %arg6[%dma_start3A_662, %dma_start3A_663, %dma_start3A_669] : memref<3x2x128xi32, #tpu.memory_space<vmem>> -> memref<1x1x128xi32, #tpu.memory_space<vmem>>
      %dma_start3A_671 = tpu.memref_squeeze %dma_start3A_670 : memref<1x1x128xi32, #tpu.memory_space<vmem>> -> memref<128xi32, #tpu.memory_space<vmem>>
      %dma_start3A_672 = arith.constant 0 : i32
      %dma_start3A_673 = arith.constant 0 : i32
      %dma_start3A_674 = tpu.memref_slice %arg5[%dma_start3A_672, %dma_start3A_673] : memref<128x128xf32, #tpu.memory_space<vmem_shared>> -> memref<128x128xf32, #tpu.memory_space<vmem_shared>>
      tpu.enqueue_indirect_dma source(%dma_start3A_674 : memref<128x128xf32, #tpu.memory_space<vmem_shared>>) target(%dma_start3A_668 : memref<128x128xf32, #tpu.memory_space<vmem>>) offsets(%dma_start3A_671 : memref<128xi32, #tpu.memory_space<vmem>>) semaphore(%arg8 : memref<!tpu.dma_semaphore, #tpu.memory_space<semaphore_mem>>)
      %dma_start3A_675 = arith.constant 0 : i32
      %dma_start3A_676 = arith.constant 1 : i32
      %dma_start3A_677 = arith.constant 0 : i32
      %dma_start3A_678 = arith.constant 128 : i32
      %dma_start3A_679 = arith.constant 0 : i32
      %dma_start3A_680 = tpu.memref_slice %arg7[%dma_start3A_677, %dma_start3A_678, %dma_start3A_679] : memref<3x256x128xf32, #tpu.memory_space<vmem>> -> memref<1x128x128xf32, #tpu.memory_space<vmem>>
      %dma_start3A_681 = tpu.memref_squeeze %dma_start3A_680 : memref<1x128x128xf32, #tpu.memory_space<vmem>> -> memref<128x128xf32, #tpu.memory_space<vmem>>
      %dma_start3A_682 = arith.constant 0 : i32
      %dma_start3A_683 = tpu.memref_slice %arg6[%dma_start3A_675, %dma_start3A_676, %dma_start3A_682] : memref<3x2x128xi32, #tpu.memory_space<vmem>> -> memref<1x1x128xi32, #tpu.memory_space<vmem>>
      %dma_start3A_684 = tpu.memref_squeeze %dma_start3A_683 : memref<1x1x128xi32, #tpu.memory_space<vmem>> -> memref<128xi32, #tpu.memory_space<vmem>>
      %dma_start3A_685 = arith.constant 0 : i32
      %dma_start3A_686 = arith.constant 0 : i32
      %dma_start3A_687 = tpu.memref_slice %arg5[%dma_start3A_685, %dma_start3A_686] : memref<128x128xf32, #tpu.memory_space<vmem_shared>> -> memref<128x128xf32, #tpu.memory_space<vmem_shared>>
      tpu.enqueue_indirect_dma source(%dma_start3A_687 : memref<128x128xf32, #tpu.memory_space<vmem_shared>>) target(%dma_start3A_681 : memref<128x128xf32, #tpu.memory_space<vmem>>) offsets(%dma_start3A_684 : memref<128xi32, #tpu.memory_space<vmem>>) semaphore(%arg9 : memref<!tpu.dma_semaphore, #tpu.memory_space<semaphore_mem>>)
      %sub3A = arith.constant 1 : i32
      %sub3A_688 = arith.subi %add3A_633, %sub3A : i32
      %dma_wait3A_689 = arith.constant 2 : i32
      %dma_wait3A_690 = arith.constant 0 : i32
      %dma_wait3A_691 = arith.constant 2 : i32
      %dma_wait3A_692 = arith.constant 0 : i32
      %dma_wait3A_693 = arith.constant 0 : i32
      %dma_wait3A_694 = tpu.memref_slice %arg7[%dma_wait3A_691, %dma_wait3A_692, %dma_wait3A_693] : memref<3x256x128xf32, #tpu.memory_space<vmem>> -> memref<1x128x128xf32, #tpu.memory_space<vmem>>
      %dma_wait3A_695 = tpu.memref_squeeze %dma_wait3A_694 : memref<1x128x128xf32, #tpu.memory_space<vmem>> -> memref<128x128xf32, #tpu.memory_space<vmem>>
      %dma_wait3A_696 = arith.constant 0 : i32
      %dma_wait3A_697 = tpu.memref_slice %arg6[%dma_wait3A_689, %dma_wait3A_690, %dma_wait3A_696] : memref<3x2x128xi32, #tpu.memory_space<vmem>> -> memref<1x1x128xi32, #tpu.memory_space<vmem>>
      %dma_wait3A_698 = tpu.memref_squeeze %dma_wait3A_697 : memref<1x1x128xi32, #tpu.memory_space<vmem>> -> memref<128xi32, #tpu.memory_space<vmem>>
      %dma_wait3A_699 = arith.constant 0 : i32
      %dma_wait3A_700 = arith.constant 0 : i32
      %dma_wait3A_701 = tpu.memref_slice %arg5[%dma_wait3A_699, %dma_wait3A_700] : memref<128x128xf32, #tpu.memory_space<vmem_shared>> -> memref<128x128xf32, #tpu.memory_space<vmem_shared>>
      tpu.wait_indirect_dma semaphore(%arg12 : memref<!tpu.dma_semaphore, #tpu.memory_space<semaphore_mem>>) src(%dma_wait3A_701 : memref<128x128xf32, #tpu.memory_space<vmem_shared>>) dst(%dma_wait3A_695 : memref<128x128xf32, #tpu.memory_space<vmem>>)
      %mul3A_702 = arith.constant 256 : i32
      %mul3A_703 = arith.muli %sub3A_688, %mul3A_702 : i32
      %add3A_704 = arith.addi %mul3A_4, %mul3A_703 : i32
      %add3A_705 = arith.constant 0 : i32
      %add3A_706 = arith.addi %add3A_704, %add3A_705 : i32
      %dma_start3A_707 = arith.constant 2 : i32
      %dma_start3A_708 = arith.constant 0 : i32
      %dma_start3A_709 = arith.constant 0 : i32
      %dma_start3A_710 = tpu.memref_slice %arg7[%dma_start3A_707, %dma_start3A_708, %dma_start3A_709] : memref<3x256x128xf32, #tpu.memory_space<vmem>> -> memref<1x128x128xf32, #tpu.memory_space<vmem>>
      %dma_start3A_711 = tpu.memref_squeeze %dma_start3A_710 : memref<1x128x128xf32, #tpu.memory_space<vmem>> -> memref<128x128xf32, #tpu.memory_space<vmem>>
      %dma_start3A_712 = arith.constant 0 : i32
      %dma_start3A_713 = tpu.memref_slice %arg4[%add3A_706, %dma_start3A_712] : memref<3276800x128xf32, #tpu.memory_space<hbm>> -> memref<128x128xf32, #tpu.memory_space<hbm>>
      %dma_start3A_714 = arith.constant 0 : i32
      %dma_start3A_715 = tpu.memref_slice %arg4[%add3A_706, %dma_start3A_714] : memref<3276800x128xf32, #tpu.memory_space<hbm>> -> memref<128x128xf32, #tpu.memory_space<hbm>>
      %dma_start3A_716 = arith.constant 0 : i32
      %dma_start3A_717 = arith.constant 0 : i32
      %dma_start3A_718 = tpu.memref_slice %arg7[%dma_start3A_707, %dma_start3A_716, %dma_start3A_717] : memref<3x256x128xf32, #tpu.memory_space<vmem>> -> memref<1x128x128xf32, #tpu.memory_space<vmem>>
      %dma_start3A_719 = tpu.memref_squeeze %dma_start3A_718 : memref<1x128x128xf32, #tpu.memory_space<vmem>> -> memref<128x128xf32, #tpu.memory_space<vmem>>
      tpu.enqueue_dma source(%dma_start3A_719 : memref<128x128xf32, #tpu.memory_space<vmem>>) target(%dma_start3A_715 : memref<128x128xf32, #tpu.memory_space<hbm>>) target_semaphore(%arg16 : memref<!tpu.dma_semaphore, #tpu.memory_space<semaphore_mem>>)
      %dma_wait3A_720 = arith.constant 2 : i32
      %dma_wait3A_721 = arith.constant 1 : i32
      %dma_wait3A_722 = arith.constant 2 : i32
      %dma_wait3A_723 = arith.constant 128 : i32
      %dma_wait3A_724 = arith.constant 0 : i32
      %dma_wait3A_725 = tpu.memref_slice %arg7[%dma_wait3A_722, %dma_wait3A_723, %dma_wait3A_724] : memref<3x256x128xf32, #tpu.memory_space<vmem>> -> memref<1x128x128xf32, #tpu.memory_space<vmem>>
      %dma_wait3A_726 = tpu.memref_squeeze %dma_wait3A_725 : memref<1x128x128xf32, #tpu.memory_space<vmem>> -> memref<128x128xf32, #tpu.memory_space<vmem>>
      %dma_wait3A_727 = arith.constant 0 : i32
      %dma_wait3A_728 = tpu.memref_slice %arg6[%dma_wait3A_720, %dma_wait3A_721, %dma_wait3A_727] : memref<3x2x128xi32, #tpu.memory_space<vmem>> -> memref<1x1x128xi32, #tpu.memory_space<vmem>>
      %dma_wait3A_729 = tpu.memref_squeeze %dma_wait3A_728 : memref<1x1x128xi32, #tpu.memory_space<vmem>> -> memref<128xi32, #tpu.memory_space<vmem>>
      %dma_wait3A_730 = arith.constant 0 : i32
      %dma_wait3A_731 = arith.constant 0 : i32
      %dma_wait3A_732 = tpu.memref_slice %arg5[%dma_wait3A_730, %dma_wait3A_731] : memref<128x128xf32, #tpu.memory_space<vmem_shared>> -> memref<128x128xf32, #tpu.memory_space<vmem_shared>>
      tpu.wait_indirect_dma semaphore(%arg13 : memref<!tpu.dma_semaphore, #tpu.memory_space<semaphore_mem>>) src(%dma_wait3A_732 : memref<128x128xf32, #tpu.memory_space<vmem_shared>>) dst(%dma_wait3A_726 : memref<128x128xf32, #tpu.memory_space<vmem>>)
      %mul3A_733 = arith.constant 256 : i32
      %mul3A_734 = arith.muli %sub3A_688, %mul3A_733 : i32
      %add3A_735 = arith.addi %mul3A_4, %mul3A_734 : i32
      %add3A_736 = arith.constant 128 : i32
      %add3A_737 = arith.addi %add3A_735, %add3A_736 : i32
      %dma_start3A_738 = arith.constant 2 : i32
      %dma_start3A_739 = arith.constant 128 : i32
      %dma_start3A_740 = arith.constant 0 : i32
      %dma_start3A_741 = tpu.memref_slice %arg7[%dma_start3A_738, %dma_start3A_739, %dma_start3A_740] : memref<3x256x128xf32, #tpu.memory_space<vmem>> -> memref<1x128x128xf32, #tpu.memory_space<vmem>>
      %dma_start3A_742 = tpu.memref_squeeze %dma_start3A_741 : memref<1x128x128xf32, #tpu.memory_space<vmem>> -> memref<128x128xf32, #tpu.memory_space<vmem>>
      %dma_start3A_743 = arith.constant 0 : i32
      %dma_start3A_744 = tpu.memref_slice %arg4[%add3A_737, %dma_start3A_743] : memref<3276800x128xf32, #tpu.memory_space<hbm>> -> memref<128x128xf32, #tpu.memory_space<hbm>>
      %dma_start3A_745 = arith.constant 0 : i32
      %dma_start3A_746 = tpu.memref_slice %arg4[%add3A_737, %dma_start3A_745] : memref<3276800x128xf32, #tpu.memory_space<hbm>> -> memref<128x128xf32, #tpu.memory_space<hbm>>
      %dma_start3A_747 = arith.constant 128 : i32
      %dma_start3A_748 = arith.constant 0 : i32
      %dma_start3A_749 = tpu.memref_slice %arg7[%dma_start3A_738, %dma_start3A_747, %dma_start3A_748] : memref<3x256x128xf32, #tpu.memory_space<vmem>> -> memref<1x128x128xf32, #tpu.memory_space<vmem>>
      %dma_start3A_750 = tpu.memref_squeeze %dma_start3A_749 : memref<1x128x128xf32, #tpu.memory_space<vmem>> -> memref<128x128xf32, #tpu.memory_space<vmem>>
      tpu.enqueue_dma source(%dma_start3A_750 : memref<128x128xf32, #tpu.memory_space<vmem>>) target(%dma_start3A_746 : memref<128x128xf32, #tpu.memory_space<hbm>>) target_semaphore(%arg16 : memref<!tpu.dma_semaphore, #tpu.memory_space<semaphore_mem>>)
      %add3A_751 = arith.constant 3 : i32
      %add3A_752 = arith.addi %sub3A_688, %add3A_751 : i32
      %mul3A_753 = arith.constant 2 : i32
      %mul3A_754 = arith.muli %add3A_752, %mul3A_753 : i32
      %add3A_755 = arith.addi %mul3A_2, %mul3A_754 : i32
      %min3A_756 = arith.constant 25598 : i32
      %min3A_757 = arith.minsi %add3A_755, %min3A_756 : i32
      %dma_start3A_758 = arith.constant 2 : i32
      %dma_start3A_759 = arith.constant 0 : i32
      %dma_start3A_760 = arith.constant 0 : i32
      %dma_start3A_761 = tpu.memref_slice %arg6[%dma_start3A_758, %dma_start3A_759, %dma_start3A_760] : memref<3x2x128xi32, #tpu.memory_space<vmem>> -> memref<1x2x128xi32, #tpu.memory_space<vmem>>
      %dma_start3A_762 = tpu.memref_squeeze %dma_start3A_761 : memref<1x2x128xi32, #tpu.memory_space<vmem>> -> memref<2x128xi32, #tpu.memory_space<vmem>>
      %dma_start3A_763 = arith.constant 0 : i32
      %dma_start3A_764 = tpu.memref_slice %arg3[%min3A_757, %dma_start3A_763] : memref<25600x128xi32, #tpu.memory_space<hbm>> -> memref<2x128xi32, #tpu.memory_space<hbm>>
      %dma_start3A_765 = arith.constant 0 : i32
      %dma_start3A_766 = arith.constant 0 : i32
      %dma_start3A_767 = tpu.memref_slice %arg6[%dma_start3A_758, %dma_start3A_765, %dma_start3A_766] : memref<3x2x128xi32, #tpu.memory_space<vmem>> -> memref<1x2x128xi32, #tpu.memory_space<vmem>>
      %dma_start3A_768 = tpu.memref_squeeze %dma_start3A_767 : memref<1x2x128xi32, #tpu.memory_space<vmem>> -> memref<2x128xi32, #tpu.memory_space<vmem>>
      %dma_start3A_769 = arith.constant 0 : i32
      %dma_start3A_770 = tpu.memref_slice %arg3[%min3A_757, %dma_start3A_769] : memref<25600x128xi32, #tpu.memory_space<hbm>> -> memref<2x128xi32, #tpu.memory_space<hbm>>
      tpu.enqueue_dma source(%dma_start3A_770 : memref<2x128xi32, #tpu.memory_space<hbm>>) target(%dma_start3A_768 : memref<2x128xi32, #tpu.memory_space<vmem>>) target_semaphore(%arg19 : memref<!tpu.dma_semaphore, #tpu.memory_space<semaphore_mem>>)
      %mul3A_771 = arith.constant 3 : i32
      %mul3A_772 = arith.muli %scan3A_629, %mul3A_771 : i32
      %add3A_773 = arith.constant 1 : i32
      %add3A_774 = arith.addi %mul3A_772, %add3A_773 : i32
      %dma_wait3A_775 = arith.constant 1 : i32
      %dma_wait3A_776 = arith.constant 0 : i32
      %dma_wait3A_777 = arith.constant 0 : i32
      %dma_wait3A_778 = tpu.memref_slice %arg7[%dma_wait3A_775, %dma_wait3A_776, %dma_wait3A_777] : memref<3x256x128xf32, #tpu.memory_space<vmem>> -> memref<1x256x128xf32, #tpu.memory_space<vmem>>
      %dma_wait3A_779 = tpu.memref_squeeze %dma_wait3A_778 : memref<1x256x128xf32, #tpu.memory_space<vmem>> -> memref<256x128xf32, #tpu.memory_space<vmem>>
      %dma_wait3A_780 = arith.constant 0 : i32
      %dma_wait3A_781 = tpu.memref_slice %arg4[%mul3A_4, %dma_wait3A_780] : memref<3276800x128xf32, #tpu.memory_space<hbm>> -> memref<256x128xf32, #tpu.memory_space<hbm>>
      %dma_wait3A_782 = arith.constant 0 : i32
      %dma_wait3A_783 = tpu.memref_slice %arg4[%mul3A_4, %dma_wait3A_782] : memref<3276800x128xf32, #tpu.memory_space<hbm>> -> memref<256x128xf32, #tpu.memory_space<hbm>>
      %dma_wait3A_784 = arith.constant 0 : i32
      %dma_wait3A_785 = arith.constant 0 : i32
      %dma_wait3A_786 = tpu.memref_slice %arg7[%dma_wait3A_775, %dma_wait3A_784, %dma_wait3A_785] : memref<3x256x128xf32, #tpu.memory_space<vmem>> -> memref<1x256x128xf32, #tpu.memory_space<vmem>>
      %dma_wait3A_787 = tpu.memref_squeeze %dma_wait3A_786 : memref<1x256x128xf32, #tpu.memory_space<vmem>> -> memref<256x128xf32, #tpu.memory_space<vmem>>
      tpu.wait_dma2 semaphore(%arg15 : memref<!tpu.dma_semaphore, #tpu.memory_space<semaphore_mem>>) src(%dma_wait3A_787 : memref<256x128xf32, #tpu.memory_space<vmem>>) dst(%dma_wait3A_783 : memref<256x128xf32, #tpu.memory_space<hbm>>)
      %dma_wait3A_788 = arith.constant 1 : i32
      %dma_wait3A_789 = arith.constant 0 : i32
      %dma_wait3A_790 = arith.constant 0 : i32
      %dma_wait3A_791 = tpu.memref_slice %arg6[%dma_wait3A_788, %dma_wait3A_789, %dma_wait3A_790] : memref<3x2x128xi32, #tpu.memory_space<vmem>> -> memref<1x2x128xi32, #tpu.memory_space<vmem>>
      %dma_wait3A_792 = tpu.memref_squeeze %dma_wait3A_791 : memref<1x2x128xi32, #tpu.memory_space<vmem>> -> memref<2x128xi32, #tpu.memory_space<vmem>>
      %dma_wait3A_793 = arith.constant 0 : i32
      %dma_wait3A_794 = arith.constant 0 : i32
      %dma_wait3A_795 = tpu.memref_slice %arg3[%dma_wait3A_793, %dma_wait3A_794] : memref<25600x128xi32, #tpu.memory_space<hbm>> -> memref<2x128xi32, #tpu.memory_space<hbm>>
      %dma_wait3A_796 = arith.constant 0 : i32
      %dma_wait3A_797 = arith.constant 0 : i32
      %dma_wait3A_798 = tpu.memref_slice %arg6[%dma_wait3A_788, %dma_wait3A_796, %dma_wait3A_797] : memref<3x2x128xi32, #tpu.memory_space<vmem>> -> memref<1x2x128xi32, #tpu.memory_space<vmem>>
      %dma_wait3A_799 = tpu.memref_squeeze %dma_wait3A_798 : memref<1x2x128xi32, #tpu.memory_space<vmem>> -> memref<2x128xi32, #tpu.memory_space<vmem>>
      %dma_wait3A_800 = arith.constant 0 : i32
      %dma_wait3A_801 = arith.constant 0 : i32
      %dma_wait3A_802 = tpu.memref_slice %arg3[%dma_wait3A_800, %dma_wait3A_801] : memref<25600x128xi32, #tpu.memory_space<hbm>> -> memref<2x128xi32, #tpu.memory_space<hbm>>
      tpu.wait_dma2 semaphore(%arg18 : memref<!tpu.dma_semaphore, #tpu.memory_space<semaphore_mem>>) src(%dma_wait3A_802 : memref<2x128xi32, #tpu.memory_space<hbm>>) dst(%dma_wait3A_799 : memref<2x128xi32, #tpu.memory_space<vmem>>)
      %dma_start3A_803 = arith.constant 1 : i32
      %dma_start3A_804 = arith.constant 0 : i32
      %dma_start3A_805 = arith.constant 1 : i32
      %dma_start3A_806 = arith.constant 0 : i32
      %dma_start3A_807 = arith.constant 0 : i32
      %dma_start3A_808 = tpu.memref_slice %arg7[%dma_start3A_805, %dma_start3A_806, %dma_start3A_807] : memref<3x256x128xf32, #tpu.memory_space<vmem>> -> memref<1x128x128xf32, #tpu.memory_space<vmem>>
      %dma_start3A_809 = tpu.memref_squeeze %dma_start3A_808 : memref<1x128x128xf32, #tpu.memory_space<vmem>> -> memref<128x128xf32, #tpu.memory_space<vmem>>
      %dma_start3A_810 = arith.constant 0 : i32
      %dma_start3A_811 = tpu.memref_slice %arg6[%dma_start3A_803, %dma_start3A_804, %dma_start3A_810] : memref<3x2x128xi32, #tpu.memory_space<vmem>> -> memref<1x1x128xi32, #tpu.memory_space<vmem>>
      %dma_start3A_812 = tpu.memref_squeeze %dma_start3A_811 : memref<1x1x128xi32, #tpu.memory_space<vmem>> -> memref<128xi32, #tpu.memory_space<vmem>>
      %dma_start3A_813 = arith.constant 0 : i32
      %dma_start3A_814 = arith.constant 0 : i32
      %dma_start3A_815 = tpu.memref_slice %arg5[%dma_start3A_813, %dma_start3A_814] : memref<128x128xf32, #tpu.memory_space<vmem_shared>> -> memref<128x128xf32, #tpu.memory_space<vmem_shared>>
      tpu.enqueue_indirect_dma source(%dma_start3A_815 : memref<128x128xf32, #tpu.memory_space<vmem_shared>>) target(%dma_start3A_809 : memref<128x128xf32, #tpu.memory_space<vmem>>) offsets(%dma_start3A_812 : memref<128xi32, #tpu.memory_space<vmem>>) semaphore(%arg10 : memref<!tpu.dma_semaphore, #tpu.memory_space<semaphore_mem>>)
      %dma_start3A_816 = arith.constant 1 : i32
      %dma_start3A_817 = arith.constant 1 : i32
      %dma_start3A_818 = arith.constant 1 : i32
      %dma_start3A_819 = arith.constant 128 : i32
      %dma_start3A_820 = arith.constant 0 : i32
      %dma_start3A_821 = tpu.memref_slice %arg7[%dma_start3A_818, %dma_start3A_819, %dma_start3A_820] : memref<3x256x128xf32, #tpu.memory_space<vmem>> -> memref<1x128x128xf32, #tpu.memory_space<vmem>>
      %dma_start3A_822 = tpu.memref_squeeze %dma_start3A_821 : memref<1x128x128xf32, #tpu.memory_space<vmem>> -> memref<128x128xf32, #tpu.memory_space<vmem>>
      %dma_start3A_823 = arith.constant 0 : i32
      %dma_start3A_824 = tpu.memref_slice %arg6[%dma_start3A_816, %dma_start3A_817, %dma_start3A_823] : memref<3x2x128xi32, #tpu.memory_space<vmem>> -> memref<1x1x128xi32, #tpu.memory_space<vmem>>
      %dma_start3A_825 = tpu.memref_squeeze %dma_start3A_824 : memref<1x1x128xi32, #tpu.memory_space<vmem>> -> memref<128xi32, #tpu.memory_space<vmem>>
      %dma_start3A_826 = arith.constant 0 : i32
      %dma_start3A_827 = arith.constant 0 : i32
      %dma_start3A_828 = tpu.memref_slice %arg5[%dma_start3A_826, %dma_start3A_827] : memref<128x128xf32, #tpu.memory_space<vmem_shared>> -> memref<128x128xf32, #tpu.memory_space<vmem_shared>>
      tpu.enqueue_indirect_dma source(%dma_start3A_828 : memref<128x128xf32, #tpu.memory_space<vmem_shared>>) target(%dma_start3A_822 : memref<128x128xf32, #tpu.memory_space<vmem>>) offsets(%dma_start3A_825 : memref<128xi32, #tpu.memory_space<vmem>>) semaphore(%arg11 : memref<!tpu.dma_semaphore, #tpu.memory_space<semaphore_mem>>)
      %sub3A_829 = arith.constant 1 : i32
      %sub3A_830 = arith.subi %add3A_774, %sub3A_829 : i32
      %dma_wait3A_831 = arith.constant 0 : i32
      %dma_wait3A_832 = arith.constant 0 : i32
      %dma_wait3A_833 = arith.constant 0 : i32
      %dma_wait3A_834 = arith.constant 0 : i32
      %dma_wait3A_835 = arith.constant 0 : i32
      %dma_wait3A_836 = tpu.memref_slice %arg7[%dma_wait3A_833, %dma_wait3A_834, %dma_wait3A_835] : memref<3x256x128xf32, #tpu.memory_space<vmem>> -> memref<1x128x128xf32, #tpu.memory_space<vmem>>
      %dma_wait3A_837 = tpu.memref_squeeze %dma_wait3A_836 : memref<1x128x128xf32, #tpu.memory_space<vmem>> -> memref<128x128xf32, #tpu.memory_space<vmem>>
      %dma_wait3A_838 = arith.constant 0 : i32
      %dma_wait3A_839 = tpu.memref_slice %arg6[%dma_wait3A_831, %dma_wait3A_832, %dma_wait3A_838] : memref<3x2x128xi32, #tpu.memory_space<vmem>> -> memref<1x1x128xi32, #tpu.memory_space<vmem>>
      %dma_wait3A_840 = tpu.memref_squeeze %dma_wait3A_839 : memref<1x1x128xi32, #tpu.memory_space<vmem>> -> memref<128xi32, #tpu.memory_space<vmem>>
      %dma_wait3A_841 = arith.constant 0 : i32
      %dma_wait3A_842 = arith.constant 0 : i32
      %dma_wait3A_843 = tpu.memref_slice %arg5[%dma_wait3A_841, %dma_wait3A_842] : memref<128x128xf32, #tpu.memory_space<vmem_shared>> -> memref<128x128xf32, #tpu.memory_space<vmem_shared>>
      tpu.wait_indirect_dma semaphore(%arg8 : memref<!tpu.dma_semaphore, #tpu.memory_space<semaphore_mem>>) src(%dma_wait3A_843 : memref<128x128xf32, #tpu.memory_space<vmem_shared>>) dst(%dma_wait3A_837 : memref<128x128xf32, #tpu.memory_space<vmem>>)
      %mul3A_844 = arith.constant 256 : i32
      %mul3A_845 = arith.muli %sub3A_830, %mul3A_844 : i32
      %add3A_846 = arith.addi %mul3A_4, %mul3A_845 : i32
      %add3A_847 = arith.constant 0 : i32
      %add3A_848 = arith.addi %add3A_846, %add3A_847 : i32
      %dma_start3A_849 = arith.constant 0 : i32
      %dma_start3A_850 = arith.constant 0 : i32
      %dma_start3A_851 = arith.constant 0 : i32
      %dma_start3A_852 = tpu.memref_slice %arg7[%dma_start3A_849, %dma_start3A_850, %dma_start3A_851] : memref<3x256x128xf32, #tpu.memory_space<vmem>> -> memref<1x128x128xf32, #tpu.memory_space<vmem>>
      %dma_start3A_853 = tpu.memref_squeeze %dma_start3A_852 : memref<1x128x128xf32, #tpu.memory_space<vmem>> -> memref<128x128xf32, #tpu.memory_space<vmem>>
      %dma_start3A_854 = arith.constant 0 : i32
      %dma_start3A_855 = tpu.memref_slice %arg4[%add3A_848, %dma_start3A_854] : memref<3276800x128xf32, #tpu.memory_space<hbm>> -> memref<128x128xf32, #tpu.memory_space<hbm>>
      %dma_start3A_856 = arith.constant 0 : i32
      %dma_start3A_857 = tpu.memref_slice %arg4[%add3A_848, %dma_start3A_856] : memref<3276800x128xf32, #tpu.memory_space<hbm>> -> memref<128x128xf32, #tpu.memory_space<hbm>>
      %dma_start3A_858 = arith.constant 0 : i32
      %dma_start3A_859 = arith.constant 0 : i32
      %dma_start3A_860 = tpu.memref_slice %arg7[%dma_start3A_849, %dma_start3A_858, %dma_start3A_859] : memref<3x256x128xf32, #tpu.memory_space<vmem>> -> memref<1x128x128xf32, #tpu.memory_space<vmem>>
      %dma_start3A_861 = tpu.memref_squeeze %dma_start3A_860 : memref<1x128x128xf32, #tpu.memory_space<vmem>> -> memref<128x128xf32, #tpu.memory_space<vmem>>
      tpu.enqueue_dma source(%dma_start3A_861 : memref<128x128xf32, #tpu.memory_space<vmem>>) target(%dma_start3A_857 : memref<128x128xf32, #tpu.memory_space<hbm>>) target_semaphore(%arg14 : memref<!tpu.dma_semaphore, #tpu.memory_space<semaphore_mem>>)
      %dma_wait3A_862 = arith.constant 0 : i32
      %dma_wait3A_863 = arith.constant 1 : i32
      %dma_wait3A_864 = arith.constant 0 : i32
      %dma_wait3A_865 = arith.constant 128 : i32
      %dma_wait3A_866 = arith.constant 0 : i32
      %dma_wait3A_867 = tpu.memref_slice %arg7[%dma_wait3A_864, %dma_wait3A_865, %dma_wait3A_866] : memref<3x256x128xf32, #tpu.memory_space<vmem>> -> memref<1x128x128xf32, #tpu.memory_space<vmem>>
      %dma_wait3A_868 = tpu.memref_squeeze %dma_wait3A_867 : memref<1x128x128xf32, #tpu.memory_space<vmem>> -> memref<128x128xf32, #tpu.memory_space<vmem>>
      %dma_wait3A_869 = arith.constant 0 : i32
      %dma_wait3A_870 = tpu.memref_slice %arg6[%dma_wait3A_862, %dma_wait3A_863, %dma_wait3A_869] : memref<3x2x128xi32, #tpu.memory_space<vmem>> -> memref<1x1x128xi32, #tpu.memory_space<vmem>>
      %dma_wait3A_871 = tpu.memref_squeeze %dma_wait3A_870 : memref<1x1x128xi32, #tpu.memory_space<vmem>> -> memref<128xi32, #tpu.memory_space<vmem>>
      %dma_wait3A_872 = arith.constant 0 : i32
      %dma_wait3A_873 = arith.constant 0 : i32
      %dma_wait3A_874 = tpu.memref_slice %arg5[%dma_wait3A_872, %dma_wait3A_873] : memref<128x128xf32, #tpu.memory_space<vmem_shared>> -> memref<128x128xf32, #tpu.memory_space<vmem_shared>>
      tpu.wait_indirect_dma semaphore(%arg9 : memref<!tpu.dma_semaphore, #tpu.memory_space<semaphore_mem>>) src(%dma_wait3A_874 : memref<128x128xf32, #tpu.memory_space<vmem_shared>>) dst(%dma_wait3A_868 : memref<128x128xf32, #tpu.memory_space<vmem>>)
      %mul3A_875 = arith.constant 256 : i32
      %mul3A_876 = arith.muli %sub3A_830, %mul3A_875 : i32
      %add3A_877 = arith.addi %mul3A_4, %mul3A_876 : i32
      %add3A_878 = arith.constant 128 : i32
      %add3A_879 = arith.addi %add3A_877, %add3A_878 : i32
      %dma_start3A_880 = arith.constant 0 : i32
      %dma_start3A_881 = arith.constant 128 : i32
      %dma_start3A_882 = arith.constant 0 : i32
      %dma_start3A_883 = tpu.memref_slice %arg7[%dma_start3A_880, %dma_start3A_881, %dma_start3A_882] : memref<3x256x128xf32, #tpu.memory_space<vmem>> -> memref<1x128x128xf32, #tpu.memory_space<vmem>>
      %dma_start3A_884 = tpu.memref_squeeze %dma_start3A_883 : memref<1x128x128xf32, #tpu.memory_space<vmem>> -> memref<128x128xf32, #tpu.memory_space<vmem>>
      %dma_start3A_885 = arith.constant 0 : i32
      %dma_start3A_886 = tpu.memref_slice %arg4[%add3A_879, %dma_start3A_885] : memref<3276800x128xf32, #tpu.memory_space<hbm>> -> memref<128x128xf32, #tpu.memory_space<hbm>>
      %dma_start3A_887 = arith.constant 0 : i32
      %dma_start3A_888 = tpu.memref_slice %arg4[%add3A_879, %dma_start3A_887] : memref<3276800x128xf32, #tpu.memory_space<hbm>> -> memref<128x128xf32, #tpu.memory_space<hbm>>
      %dma_start3A_889 = arith.constant 128 : i32
      %dma_start3A_890 = arith.constant 0 : i32
      %dma_start3A_891 = tpu.memref_slice %arg7[%dma_start3A_880, %dma_start3A_889, %dma_start3A_890] : memref<3x256x128xf32, #tpu.memory_space<vmem>> -> memref<1x128x128xf32, #tpu.memory_space<vmem>>
      %dma_start3A_892 = tpu.memref_squeeze %dma_start3A_891 : memref<1x128x128xf32, #tpu.memory_space<vmem>> -> memref<128x128xf32, #tpu.memory_space<vmem>>
      tpu.enqueue_dma source(%dma_start3A_892 : memref<128x128xf32, #tpu.memory_space<vmem>>) target(%dma_start3A_888 : memref<128x128xf32, #tpu.memory_space<hbm>>) target_semaphore(%arg14 : memref<!tpu.dma_semaphore, #tpu.memory_space<semaphore_mem>>)
      %add3A_893 = arith.constant 3 : i32
      %add3A_894 = arith.addi %sub3A_830, %add3A_893 : i32
      %mul3A_895 = arith.constant 2 : i32
      %mul3A_896 = arith.muli %add3A_894, %mul3A_895 : i32
      %add3A_897 = arith.addi %mul3A_2, %mul3A_896 : i32
      %min3A_898 = arith.constant 25598 : i32
      %min3A_899 = arith.minsi %add3A_897, %min3A_898 : i32
      %dma_start3A_900 = arith.constant 0 : i32
      %dma_start3A_901 = arith.constant 0 : i32
      %dma_start3A_902 = arith.constant 0 : i32
      %dma_start3A_903 = tpu.memref_slice %arg6[%dma_start3A_900, %dma_start3A_901, %dma_start3A_902] : memref<3x2x128xi32, #tpu.memory_space<vmem>> -> memref<1x2x128xi32, #tpu.memory_space<vmem>>
      %dma_start3A_904 = tpu.memref_squeeze %dma_start3A_903 : memref<1x2x128xi32, #tpu.memory_space<vmem>> -> memref<2x128xi32, #tpu.memory_space<vmem>>
      %dma_start3A_905 = arith.constant 0 : i32
      %dma_start3A_906 = tpu.memref_slice %arg3[%min3A_899, %dma_start3A_905] : memref<25600x128xi32, #tpu.memory_space<hbm>> -> memref<2x128xi32, #tpu.memory_space<hbm>>
      %dma_start3A_907 = arith.constant 0 : i32
      %dma_start3A_908 = arith.constant 0 : i32
      %dma_start3A_909 = tpu.memref_slice %arg6[%dma_start3A_900, %dma_start3A_907, %dma_start3A_908] : memref<3x2x128xi32, #tpu.memory_space<vmem>> -> memref<1x2x128xi32, #tpu.memory_space<vmem>>
      %dma_start3A_910 = tpu.memref_squeeze %dma_start3A_909 : memref<1x2x128xi32, #tpu.memory_space<vmem>> -> memref<2x128xi32, #tpu.memory_space<vmem>>
      %dma_start3A_911 = arith.constant 0 : i32
      %dma_start3A_912 = tpu.memref_slice %arg3[%min3A_899, %dma_start3A_911] : memref<25600x128xi32, #tpu.memory_space<hbm>> -> memref<2x128xi32, #tpu.memory_space<hbm>>
      tpu.enqueue_dma source(%dma_start3A_912 : memref<2x128xi32, #tpu.memory_space<hbm>>) target(%dma_start3A_910 : memref<2x128xi32, #tpu.memory_space<vmem>>) target_semaphore(%arg17 : memref<!tpu.dma_semaphore, #tpu.memory_space<semaphore_mem>>)
      %mul3A_913 = arith.constant 3 : i32
      %mul3A_914 = arith.muli %scan3A_629, %mul3A_913 : i32
      %add3A_915 = arith.constant 2 : i32
      %add3A_916 = arith.addi %mul3A_914, %add3A_915 : i32
      %dma_wait3A_917 = arith.constant 2 : i32
      %dma_wait3A_918 = arith.constant 0 : i32
      %dma_wait3A_919 = arith.constant 0 : i32
      %dma_wait3A_920 = tpu.memref_slice %arg7[%dma_wait3A_917, %dma_wait3A_918, %dma_wait3A_919] : memref<3x256x128xf32, #tpu.memory_space<vmem>> -> memref<1x256x128xf32, #tpu.memory_space<vmem>>
      %dma_wait3A_921 = tpu.memref_squeeze %dma_wait3A_920 : memref<1x256x128xf32, #tpu.memory_space<vmem>> -> memref<256x128xf32, #tpu.memory_space<vmem>>
      %dma_wait3A_922 = arith.constant 0 : i32
      %dma_wait3A_923 = tpu.memref_slice %arg4[%mul3A_4, %dma_wait3A_922] : memref<3276800x128xf32, #tpu.memory_space<hbm>> -> memref<256x128xf32, #tpu.memory_space<hbm>>
      %dma_wait3A_924 = arith.constant 0 : i32
      %dma_wait3A_925 = tpu.memref_slice %arg4[%mul3A_4, %dma_wait3A_924] : memref<3276800x128xf32, #tpu.memory_space<hbm>> -> memref<256x128xf32, #tpu.memory_space<hbm>>
      %dma_wait3A_926 = arith.constant 0 : i32
      %dma_wait3A_927 = arith.constant 0 : i32
      %dma_wait3A_928 = tpu.memref_slice %arg7[%dma_wait3A_917, %dma_wait3A_926, %dma_wait3A_927] : memref<3x256x128xf32, #tpu.memory_space<vmem>> -> memref<1x256x128xf32, #tpu.memory_space<vmem>>
      %dma_wait3A_929 = tpu.memref_squeeze %dma_wait3A_928 : memref<1x256x128xf32, #tpu.memory_space<vmem>> -> memref<256x128xf32, #tpu.memory_space<vmem>>
      tpu.wait_dma2 semaphore(%arg16 : memref<!tpu.dma_semaphore, #tpu.memory_space<semaphore_mem>>) src(%dma_wait3A_929 : memref<256x128xf32, #tpu.memory_space<vmem>>) dst(%dma_wait3A_925 : memref<256x128xf32, #tpu.memory_space<hbm>>)
      %dma_wait3A_930 = arith.constant 2 : i32
      %dma_wait3A_931 = arith.constant 0 : i32
      %dma_wait3A_932 = arith.constant 0 : i32
      %dma_wait3A_933 = tpu.memref_slice %arg6[%dma_wait3A_930, %dma_wait3A_931, %dma_wait3A_932] : memref<3x2x128xi32, #tpu.memory_space<vmem>> -> memref<1x2x128xi32, #tpu.memory_space<vmem>>
      %dma_wait3A_934 = tpu.memref_squeeze %dma_wait3A_933 : memref<1x2x128xi32, #tpu.memory_space<vmem>> -> memref<2x128xi32, #tpu.memory_space<vmem>>
      %dma_wait3A_935 = arith.constant 0 : i32
      %dma_wait3A_936 = arith.constant 0 : i32
      %dma_wait3A_937 = tpu.memref_slice %arg3[%dma_wait3A_935, %dma_wait3A_936] : memref<25600x128xi32, #tpu.memory_space<hbm>> -> memref<2x128xi32, #tpu.memory_space<hbm>>
      %dma_wait3A_938 = arith.constant 0 : i32
      %dma_wait3A_939 = arith.constant 0 : i32
      %dma_wait3A_940 = tpu.memref_slice %arg6[%dma_wait3A_930, %dma_wait3A_938, %dma_wait3A_939] : memref<3x2x128xi32, #tpu.memory_space<vmem>> -> memref<1x2x128xi32, #tpu.memory_space<vmem>>
      %dma_wait3A_941 = tpu.memref_squeeze %dma_wait3A_940 : memref<1x2x128xi32, #tpu.memory_space<vmem>> -> memref<2x128xi32, #tpu.memory_space<vmem>>
      %dma_wait3A_942 = arith.constant 0 : i32
      %dma_wait3A_943 = arith.constant 0 : i32
      %dma_wait3A_944 = tpu.memref_slice %arg3[%dma_wait3A_942, %dma_wait3A_943] : memref<25600x128xi32, #tpu.memory_space<hbm>> -> memref<2x128xi32, #tpu.memory_space<hbm>>
      tpu.wait_dma2 semaphore(%arg19 : memref<!tpu.dma_semaphore, #tpu.memory_space<semaphore_mem>>) src(%dma_wait3A_944 : memref<2x128xi32, #tpu.memory_space<hbm>>) dst(%dma_wait3A_941 : memref<2x128xi32, #tpu.memory_space<vmem>>)
      %dma_start3A_945 = arith.constant 2 : i32
      %dma_start3A_946 = arith.constant 0 : i32
      %dma_start3A_947 = arith.constant 2 : i32
      %dma_start3A_948 = arith.constant 0 : i32
      %dma_start3A_949 = arith.constant 0 : i32
      %dma_start3A_950 = tpu.memref_slice %arg7[%dma_start3A_947, %dma_start3A_948, %dma_start3A_949] : memref<3x256x128xf32, #tpu.memory_space<vmem>> -> memref<1x128x128xf32, #tpu.memory_space<vmem>>
      %dma_start3A_951 = tpu.memref_squeeze %dma_start3A_950 : memref<1x128x128xf32, #tpu.memory_space<vmem>> -> memref<128x128xf32, #tpu.memory_space<vmem>>
      %dma_start3A_952 = arith.constant 0 : i32
      %dma_start3A_953 = tpu.memref_slice %arg6[%dma_start3A_945, %dma_start3A_946, %dma_start3A_952] : memref<3x2x128xi32, #tpu.memory_space<vmem>> -> memref<1x1x128xi32, #tpu.memory_space<vmem>>
      %dma_start3A_954 = tpu.memref_squeeze %dma_start3A_953 : memref<1x1x128xi32, #tpu.memory_space<vmem>> -> memref<128xi32, #tpu.memory_space<vmem>>
      %dma_start3A_955 = arith.constant 0 : i32
      %dma_start3A_956 = arith.constant 0 : i32
      %dma_start3A_957 = tpu.memref_slice %arg5[%dma_start3A_955, %dma_start3A_956] : memref<128x128xf32, #tpu.memory_space<vmem_shared>> -> memref<128x128xf32, #tpu.memory_space<vmem_shared>>
      tpu.enqueue_indirect_dma source(%dma_start3A_957 : memref<128x128xf32, #tpu.memory_space<vmem_shared>>) target(%dma_start3A_951 : memref<128x128xf32, #tpu.memory_space<vmem>>) offsets(%dma_start3A_954 : memref<128xi32, #tpu.memory_space<vmem>>) semaphore(%arg12 : memref<!tpu.dma_semaphore, #tpu.memory_space<semaphore_mem>>)
      %dma_start3A_958 = arith.constant 2 : i32
      %dma_start3A_959 = arith.constant 1 : i32
      %dma_start3A_960 = arith.constant 2 : i32
      %dma_start3A_961 = arith.constant 128 : i32
      %dma_start3A_962 = arith.constant 0 : i32
      %dma_start3A_963 = tpu.memref_slice %arg7[%dma_start3A_960, %dma_start3A_961, %dma_start3A_962] : memref<3x256x128xf32, #tpu.memory_space<vmem>> -> memref<1x128x128xf32, #tpu.memory_space<vmem>>
      %dma_start3A_964 = tpu.memref_squeeze %dma_start3A_963 : memref<1x128x128xf32, #tpu.memory_space<vmem>> -> memref<128x128xf32, #tpu.memory_space<vmem>>
      %dma_start3A_965 = arith.constant 0 : i32
      %dma_start3A_966 = tpu.memref_slice %arg6[%dma_start3A_958, %dma_start3A_959, %dma_start3A_965] : memref<3x2x128xi32, #tpu.memory_space<vmem>> -> memref<1x1x128xi32, #tpu.memory_space<vmem>>
      %dma_start3A_967 = tpu.memref_squeeze %dma_start3A_966 : memref<1x1x128xi32, #tpu.memory_space<vmem>> -> memref<128xi32, #tpu.memory_space<vmem>>
      %dma_start3A_968 = arith.constant 0 : i32
      %dma_start3A_969 = arith.constant 0 : i32
      %dma_start3A_970 = tpu.memref_slice %arg5[%dma_start3A_968, %dma_start3A_969] : memref<128x128xf32, #tpu.memory_space<vmem_shared>> -> memref<128x128xf32, #tpu.memory_space<vmem_shared>>
      tpu.enqueue_indirect_dma source(%dma_start3A_970 : memref<128x128xf32, #tpu.memory_space<vmem_shared>>) target(%dma_start3A_964 : memref<128x128xf32, #tpu.memory_space<vmem>>) offsets(%dma_start3A_967 : memref<128xi32, #tpu.memory_space<vmem>>) semaphore(%arg13 : memref<!tpu.dma_semaphore, #tpu.memory_space<semaphore_mem>>)
      %sub3A_971 = arith.constant 1 : i32
      %sub3A_972 = arith.subi %add3A_916, %sub3A_971 : i32
      %dma_wait3A_973 = arith.constant 1 : i32
      %dma_wait3A_974 = arith.constant 0 : i32
      %dma_wait3A_975 = arith.constant 1 : i32
      %dma_wait3A_976 = arith.constant 0 : i32
      %dma_wait3A_977 = arith.constant 0 : i32
      %dma_wait3A_978 = tpu.memref_slice %arg7[%dma_wait3A_975, %dma_wait3A_976, %dma_wait3A_977] : memref<3x256x128xf32, #tpu.memory_space<vmem>> -> memref<1x128x128xf32, #tpu.memory_space<vmem>>
      %dma_wait3A_979 = tpu.memref_squeeze %dma_wait3A_978 : memref<1x128x128xf32, #tpu.memory_space<vmem>> -> memref<128x128xf32, #tpu.memory_space<vmem>>
      %dma_wait3A_980 = arith.constant 0 : i32
      %dma_wait3A_981 = tpu.memref_slice %arg6[%dma_wait3A_973, %dma_wait3A_974, %dma_wait3A_980] : memref<3x2x128xi32, #tpu.memory_space<vmem>> -> memref<1x1x128xi32, #tpu.memory_space<vmem>>
      %dma_wait3A_982 = tpu.memref_squeeze %dma_wait3A_981 : memref<1x1x128xi32, #tpu.memory_space<vmem>> -> memref<128xi32, #tpu.memory_space<vmem>>
      %dma_wait3A_983 = arith.constant 0 : i32
      %dma_wait3A_984 = arith.constant 0 : i32
      %dma_wait3A_985 = tpu.memref_slice %arg5[%dma_wait3A_983, %dma_wait3A_984] : memref<128x128xf32, #tpu.memory_space<vmem_shared>> -> memref<128x128xf32, #tpu.memory_space<vmem_shared>>
      tpu.wait_indirect_dma semaphore(%arg10 : memref<!tpu.dma_semaphore, #tpu.memory_space<semaphore_mem>>) src(%dma_wait3A_985 : memref<128x128xf32, #tpu.memory_space<vmem_shared>>) dst(%dma_wait3A_979 : memref<128x128xf32, #tpu.memory_space<vmem>>)
      %mul3A_986 = arith.constant 256 : i32
      %mul3A_987 = arith.muli %sub3A_972, %mul3A_986 : i32
      %add3A_988 = arith.addi %mul3A_4, %mul3A_987 : i32
      %add3A_989 = arith.constant 0 : i32
      %add3A_990 = arith.addi %add3A_988, %add3A_989 : i32
      %dma_start3A_991 = arith.constant 1 : i32
      %dma_start3A_992 = arith.constant 0 : i32
      %dma_start3A_993 = arith.constant 0 : i32
      %dma_start3A_994 = tpu.memref_slice %arg7[%dma_start3A_991, %dma_start3A_992, %dma_start3A_993] : memref<3x256x128xf32, #tpu.memory_space<vmem>> -> memref<1x128x128xf32, #tpu.memory_space<vmem>>
      %dma_start3A_995 = tpu.memref_squeeze %dma_start3A_994 : memref<1x128x128xf32, #tpu.memory_space<vmem>> -> memref<128x128xf32, #tpu.memory_space<vmem>>
      %dma_start3A_996 = arith.constant 0 : i32
      %dma_start3A_997 = tpu.memref_slice %arg4[%add3A_990, %dma_start3A_996] : memref<3276800x128xf32, #tpu.memory_space<hbm>> -> memref<128x128xf32, #tpu.memory_space<hbm>>
      %dma_start3A_998 = arith.constant 0 : i32
      %dma_start3A_999 = tpu.memref_slice %arg4[%add3A_990, %dma_start3A_998] : memref<3276800x128xf32, #tpu.memory_space<hbm>> -> memref<128x128xf32, #tpu.memory_space<hbm>>
      %dma_start3A_1000 = arith.constant 0 : i32
      %dma_start3A_1001 = arith.constant 0 : i32
      %dma_start3A_1002 = tpu.memref_slice %arg7[%dma_start3A_991, %dma_start3A_1000, %dma_start3A_1001] : memref<3x256x128xf32, #tpu.memory_space<vmem>> -> memref<1x128x128xf32, #tpu.memory_space<vmem>>
      %dma_start3A_1003 = tpu.memref_squeeze %dma_start3A_1002 : memref<1x128x128xf32, #tpu.memory_space<vmem>> -> memref<128x128xf32, #tpu.memory_space<vmem>>
      tpu.enqueue_dma source(%dma_start3A_1003 : memref<128x128xf32, #tpu.memory_space<vmem>>) target(%dma_start3A_999 : memref<128x128xf32, #tpu.memory_space<hbm>>) target_semaphore(%arg15 : memref<!tpu.dma_semaphore, #tpu.memory_space<semaphore_mem>>)
      %dma_wait3A_1004 = arith.constant 1 : i32
      %dma_wait3A_1005 = arith.constant 1 : i32
      %dma_wait3A_1006 = arith.constant 1 : i32
      %dma_wait3A_1007 = arith.constant 128 : i32
      %dma_wait3A_1008 = arith.constant 0 : i32
      %dma_wait3A_1009 = tpu.memref_slice %arg7[%dma_wait3A_1006, %dma_wait3A_1007, %dma_wait3A_1008] : memref<3x256x128xf32, #tpu.memory_space<vmem>> -> memref<1x128x128xf32, #tpu.memory_space<vmem>>
      %dma_wait3A_1010 = tpu.memref_squeeze %dma_wait3A_1009 : memref<1x128x128xf32, #tpu.memory_space<vmem>> -> memref<128x128xf32, #tpu.memory_space<vmem>>
      %dma_wait3A_1011 = arith.constant 0 : i32
      %dma_wait3A_1012 = tpu.memref_slice %arg6[%dma_wait3A_1004, %dma_wait3A_1005, %dma_wait3A_1011] : memref<3x2x128xi32, #tpu.memory_space<vmem>> -> memref<1x1x128xi32, #tpu.memory_space<vmem>>
      %dma_wait3A_1013 = tpu.memref_squeeze %dma_wait3A_1012 : memref<1x1x128xi32, #tpu.memory_space<vmem>> -> memref<128xi32, #tpu.memory_space<vmem>>
      %dma_wait3A_1014 = arith.constant 0 : i32
      %dma_wait3A_1015 = arith.constant 0 : i32
      %dma_wait3A_1016 = tpu.memref_slice %arg5[%dma_wait3A_1014, %dma_wait3A_1015] : memref<128x128xf32, #tpu.memory_space<vmem_shared>> -> memref<128x128xf32, #tpu.memory_space<vmem_shared>>
      tpu.wait_indirect_dma semaphore(%arg11 : memref<!tpu.dma_semaphore, #tpu.memory_space<semaphore_mem>>) src(%dma_wait3A_1016 : memref<128x128xf32, #tpu.memory_space<vmem_shared>>) dst(%dma_wait3A_1010 : memref<128x128xf32, #tpu.memory_space<vmem>>)
      %mul3A_1017 = arith.constant 256 : i32
      %mul3A_1018 = arith.muli %sub3A_972, %mul3A_1017 : i32
      %add3A_1019 = arith.addi %mul3A_4, %mul3A_1018 : i32
      %add3A_1020 = arith.constant 128 : i32
      %add3A_1021 = arith.addi %add3A_1019, %add3A_1020 : i32
      %dma_start3A_1022 = arith.constant 1 : i32
      %dma_start3A_1023 = arith.constant 128 : i32
      %dma_start3A_1024 = arith.constant 0 : i32
      %dma_start3A_1025 = tpu.memref_slice %arg7[%dma_start3A_1022, %dma_start3A_1023, %dma_start3A_1024] : memref<3x256x128xf32, #tpu.memory_space<vmem>> -> memref<1x128x128xf32, #tpu.memory_space<vmem>>
      %dma_start3A_1026 = tpu.memref_squeeze %dma_start3A_1025 : memref<1x128x128xf32, #tpu.memory_space<vmem>> -> memref<128x128xf32, #tpu.memory_space<vmem>>
      %dma_start3A_1027 = arith.constant 0 : i32
      %dma_start3A_1028 = tpu.memref_slice %arg4[%add3A_1021, %dma_start3A_1027] : memref<3276800x128xf32, #tpu.memory_space<hbm>> -> memref<128x128xf32, #tpu.memory_space<hbm>>
      %dma_start3A_1029 = arith.constant 0 : i32
      %dma_start3A_1030 = tpu.memref_slice %arg4[%add3A_1021, %dma_start3A_1029] : memref<3276800x128xf32, #tpu.memory_space<hbm>> -> memref<128x128xf32, #tpu.memory_space<hbm>>
      %dma_start3A_1031 = arith.constant 128 : i32
      %dma_start3A_1032 = arith.constant 0 : i32
      %dma_start3A_1033 = tpu.memref_slice %arg7[%dma_start3A_1022, %dma_start3A_1031, %dma_start3A_1032] : memref<3x256x128xf32, #tpu.memory_space<vmem>> -> memref<1x128x128xf32, #tpu.memory_space<vmem>>
      %dma_start3A_1034 = tpu.memref_squeeze %dma_start3A_1033 : memref<1x128x128xf32, #tpu.memory_space<vmem>> -> memref<128x128xf32, #tpu.memory_space<vmem>>
      tpu.enqueue_dma source(%dma_start3A_1034 : memref<128x128xf32, #tpu.memory_space<vmem>>) target(%dma_start3A_1030 : memref<128x128xf32, #tpu.memory_space<hbm>>) target_semaphore(%arg15 : memref<!tpu.dma_semaphore, #tpu.memory_space<semaphore_mem>>)
      %add3A_1035 = arith.constant 3 : i32
      %add3A_1036 = arith.addi %sub3A_972, %add3A_1035 : i32
      %mul3A_1037 = arith.constant 2 : i32
      %mul3A_1038 = arith.muli %add3A_1036, %mul3A_1037 : i32
      %add3A_1039 = arith.addi %mul3A_2, %mul3A_1038 : i32
      %min3A_1040 = arith.constant 25598 : i32
      %min3A_1041 = arith.minsi %add3A_1039, %min3A_1040 : i32
      %dma_start3A_1042 = arith.constant 1 : i32
      %dma_start3A_1043 = arith.constant 0 : i32
      %dma_start3A_1044 = arith.constant 0 : i32
      %dma_start3A_1045 = tpu.memref_slice %arg6[%dma_start3A_1042, %dma_start3A_1043, %dma_start3A_1044] : memref<3x2x128xi32, #tpu.memory_space<vmem>> -> memref<1x2x128xi32, #tpu.memory_space<vmem>>
      %dma_start3A_1046 = tpu.memref_squeeze %dma_start3A_1045 : memref<1x2x128xi32, #tpu.memory_space<vmem>> -> memref<2x128xi32, #tpu.memory_space<vmem>>
      %dma_start3A_1047 = arith.constant 0 : i32
      %dma_start3A_1048 = tpu.memref_slice %arg3[%min3A_1041, %dma_start3A_1047] : memref<25600x128xi32, #tpu.memory_space<hbm>> -> memref<2x128xi32, #tpu.memory_space<hbm>>
      %dma_start3A_1049 = arith.constant 0 : i32
      %dma_start3A_1050 = arith.constant 0 : i32
      %dma_start3A_1051 = tpu.memref_slice %arg6[%dma_start3A_1042, %dma_start3A_1049, %dma_start3A_1050] : memref<3x2x128xi32, #tpu.memory_space<vmem>> -> memref<1x2x128xi32, #tpu.memory_space<vmem>>
      %dma_start3A_1052 = tpu.memref_squeeze %dma_start3A_1051 : memref<1x2x128xi32, #tpu.memory_space<vmem>> -> memref<2x128xi32, #tpu.memory_space<vmem>>
      %dma_start3A_1053 = arith.constant 0 : i32
      %dma_start3A_1054 = tpu.memref_slice %arg3[%min3A_1041, %dma_start3A_1053] : memref<25600x128xi32, #tpu.memory_space<hbm>> -> memref<2x128xi32, #tpu.memory_space<hbm>>
      tpu.enqueue_dma source(%dma_start3A_1054 : memref<2x128xi32, #tpu.memory_space<hbm>>) target(%dma_start3A_1052 : memref<2x128xi32, #tpu.memory_space<vmem>>) target_semaphore(%arg18 : memref<!tpu.dma_semaphore, #tpu.memory_space<semaphore_mem>>)
    }
    %scan3A_336 = arith.constant 132 : i32
    %dma_wait3A_337 = arith.constant 0 : i32
    %dma_wait3A_338 = arith.constant 0 : i32
    %dma_wait3A_339 = arith.constant 0 : i32
    %dma_wait3A_340 = tpu.memref_slice %arg7[%dma_wait3A_337, %dma_wait3A_338, %dma_wait3A_339] : memref<3x256x128xf32, #tpu.memory_space<vmem>> -> memref<1x256x128xf32, #tpu.memory_space<vmem>>
    %dma_wait3A_341 = tpu.memref_squeeze %dma_wait3A_340 : memref<1x256x128xf32, #tpu.memory_space<vmem>> -> memref<256x128xf32, #tpu.memory_space<vmem>>
    %dma_wait3A_342 = arith.constant 0 : i32
    %dma_wait3A_343 = tpu.memref_slice %arg4[%mul3A_4, %dma_wait3A_342] : memref<3276800x128xf32, #tpu.memory_space<hbm>> -> memref<256x128xf32, #tpu.memory_space<hbm>>
    %dma_wait3A_344 = arith.constant 0 : i32
    %dma_wait3A_345 = tpu.memref_slice %arg4[%mul3A_4, %dma_wait3A_344] : memref<3276800x128xf32, #tpu.memory_space<hbm>> -> memref<256x128xf32, #tpu.memory_space<hbm>>
    %dma_wait3A_346 = arith.constant 0 : i32
    %dma_wait3A_347 = arith.constant 0 : i32
    %dma_wait3A_348 = tpu.memref_slice %arg7[%dma_wait3A_337, %dma_wait3A_346, %dma_wait3A_347] : memref<3x256x128xf32, #tpu.memory_space<vmem>> -> memref<1x256x128xf32, #tpu.memory_space<vmem>>
    %dma_wait3A_349 = tpu.memref_squeeze %dma_wait3A_348 : memref<1x256x128xf32, #tpu.memory_space<vmem>> -> memref<256x128xf32, #tpu.memory_space<vmem>>
    tpu.wait_dma2 semaphore(%arg14 : memref<!tpu.dma_semaphore, #tpu.memory_space<semaphore_mem>>) src(%dma_wait3A_349 : memref<256x128xf32, #tpu.memory_space<vmem>>) dst(%dma_wait3A_345 : memref<256x128xf32, #tpu.memory_space<hbm>>)
    %dma_wait3A_350 = arith.constant 0 : i32
    %dma_wait3A_351 = arith.constant 0 : i32
    %dma_wait3A_352 = arith.constant 0 : i32
    %dma_wait3A_353 = tpu.memref_slice %arg6[%dma_wait3A_350, %dma_wait3A_351, %dma_wait3A_352] : memref<3x2x128xi32, #tpu.memory_space<vmem>> -> memref<1x2x128xi32, #tpu.memory_space<vmem>>
    %dma_wait3A_354 = tpu.memref_squeeze %dma_wait3A_353 : memref<1x2x128xi32, #tpu.memory_space<vmem>> -> memref<2x128xi32, #tpu.memory_space<vmem>>
    %dma_wait3A_355 = arith.constant 0 : i32
    %dma_wait3A_356 = arith.constant 0 : i32
    %dma_wait3A_357 = tpu.memref_slice %arg3[%dma_wait3A_355, %dma_wait3A_356] : memref<25600x128xi32, #tpu.memory_space<hbm>> -> memref<2x128xi32, #tpu.memory_space<hbm>>
    %dma_wait3A_358 = arith.constant 0 : i32
    %dma_wait3A_359 = arith.constant 0 : i32
    %dma_wait3A_360 = tpu.memref_slice %arg6[%dma_wait3A_350, %dma_wait3A_358, %dma_wait3A_359] : memref<3x2x128xi32, #tpu.memory_space<vmem>> -> memref<1x2x128xi32, #tpu.memory_space<vmem>>
    %dma_wait3A_361 = tpu.memref_squeeze %dma_wait3A_360 : memref<1x2x128xi32, #tpu.memory_space<vmem>> -> memref<2x128xi32, #tpu.memory_space<vmem>>
    %dma_wait3A_362 = arith.constant 0 : i32
    %dma_wait3A_363 = arith.constant 0 : i32
    %dma_wait3A_364 = tpu.memref_slice %arg3[%dma_wait3A_362, %dma_wait3A_363] : memref<25600x128xi32, #tpu.memory_space<hbm>> -> memref<2x128xi32, #tpu.memory_space<hbm>>
    tpu.wait_dma2 semaphore(%arg17 : memref<!tpu.dma_semaphore, #tpu.memory_space<semaphore_mem>>) src(%dma_wait3A_364 : memref<2x128xi32, #tpu.memory_space<hbm>>) dst(%dma_wait3A_361 : memref<2x128xi32, #tpu.memory_space<vmem>>)
    %dma_start3A_365 = arith.constant 0 : i32
    %dma_start3A_366 = arith.constant 0 : i32
    %dma_start3A_367 = arith.constant 0 : i32
    %dma_start3A_368 = arith.constant 0 : i32
    %dma_start3A_369 = arith.constant 0 : i32
    %dma_start3A_370 = tpu.memref_slice %arg7[%dma_start3A_367, %dma_start3A_368, %dma_start3A_369] : memref<3x256x128xf32, #tpu.memory_space<vmem>> -> memref<1x128x128xf32, #tpu.memory_space<vmem>>
    %dma_start3A_371 = tpu.memref_squeeze %dma_start3A_370 : memref<1x128x128xf32, #tpu.memory_space<vmem>> -> memref<128x128xf32, #tpu.memory_space<vmem>>
    %dma_start3A_372 = arith.constant 0 : i32
    %dma_start3A_373 = tpu.memref_slice %arg6[%dma_start3A_365, %dma_start3A_366, %dma_start3A_372] : memref<3x2x128xi32, #tpu.memory_space<vmem>> -> memref<1x1x128xi32, #tpu.memory_space<vmem>>
    %dma_start3A_374 = tpu.memref_squeeze %dma_start3A_373 : memref<1x1x128xi32, #tpu.memory_space<vmem>> -> memref<128xi32, #tpu.memory_space<vmem>>
    %dma_start3A_375 = arith.constant 0 : i32
    %dma_start3A_376 = arith.constant 0 : i32
    %dma_start3A_377 = tpu.memref_slice %arg5[%dma_start3A_375, %dma_start3A_376] : memref<128x128xf32, #tpu.memory_space<vmem_shared>> -> memref<128x128xf32, #tpu.memory_space<vmem_shared>>
    tpu.enqueue_indirect_dma source(%dma_start3A_377 : memref<128x128xf32, #tpu.memory_space<vmem_shared>>) target(%dma_start3A_371 : memref<128x128xf32, #tpu.memory_space<vmem>>) offsets(%dma_start3A_374 : memref<128xi32, #tpu.memory_space<vmem>>) semaphore(%arg8 : memref<!tpu.dma_semaphore, #tpu.memory_space<semaphore_mem>>)
    %dma_start3A_378 = arith.constant 0 : i32
    %dma_start3A_379 = arith.constant 1 : i32
    %dma_start3A_380 = arith.constant 0 : i32
    %dma_start3A_381 = arith.constant 128 : i32
    %dma_start3A_382 = arith.constant 0 : i32
    %dma_start3A_383 = tpu.memref_slice %arg7[%dma_start3A_380, %dma_start3A_381, %dma_start3A_382] : memref<3x256x128xf32, #tpu.memory_space<vmem>> -> memref<1x128x128xf32, #tpu.memory_space<vmem>>
    %dma_start3A_384 = tpu.memref_squeeze %dma_start3A_383 : memref<1x128x128xf32, #tpu.memory_space<vmem>> -> memref<128x128xf32, #tpu.memory_space<vmem>>
    %dma_start3A_385 = arith.constant 0 : i32
    %dma_start3A_386 = tpu.memref_slice %arg6[%dma_start3A_378, %dma_start3A_379, %dma_start3A_385] : memref<3x2x128xi32, #tpu.memory_space<vmem>> -> memref<1x1x128xi32, #tpu.memory_space<vmem>>
    %dma_start3A_387 = tpu.memref_squeeze %dma_start3A_386 : memref<1x1x128xi32, #tpu.memory_space<vmem>> -> memref<128xi32, #tpu.memory_space<vmem>>
    %dma_start3A_388 = arith.constant 0 : i32
    %dma_start3A_389 = arith.constant 0 : i32
    %dma_start3A_390 = tpu.memref_slice %arg5[%dma_start3A_388, %dma_start3A_389] : memref<128x128xf32, #tpu.memory_space<vmem_shared>> -> memref<128x128xf32, #tpu.memory_space<vmem_shared>>
    tpu.enqueue_indirect_dma source(%dma_start3A_390 : memref<128x128xf32, #tpu.memory_space<vmem_shared>>) target(%dma_start3A_384 : memref<128x128xf32, #tpu.memory_space<vmem>>) offsets(%dma_start3A_387 : memref<128xi32, #tpu.memory_space<vmem>>) semaphore(%arg9 : memref<!tpu.dma_semaphore, #tpu.memory_space<semaphore_mem>>)
    %dma_wait3A_391 = arith.constant 2 : i32
    %dma_wait3A_392 = arith.constant 0 : i32
    %dma_wait3A_393 = arith.constant 2 : i32
    %dma_wait3A_394 = arith.constant 0 : i32
    %dma_wait3A_395 = arith.constant 0 : i32
    %dma_wait3A_396 = tpu.memref_slice %arg7[%dma_wait3A_393, %dma_wait3A_394, %dma_wait3A_395] : memref<3x256x128xf32, #tpu.memory_space<vmem>> -> memref<1x128x128xf32, #tpu.memory_space<vmem>>
    %dma_wait3A_397 = tpu.memref_squeeze %dma_wait3A_396 : memref<1x128x128xf32, #tpu.memory_space<vmem>> -> memref<128x128xf32, #tpu.memory_space<vmem>>
    %dma_wait3A_398 = arith.constant 0 : i32
    %dma_wait3A_399 = tpu.memref_slice %arg6[%dma_wait3A_391, %dma_wait3A_392, %dma_wait3A_398] : memref<3x2x128xi32, #tpu.memory_space<vmem>> -> memref<1x1x128xi32, #tpu.memory_space<vmem>>
    %dma_wait3A_400 = tpu.memref_squeeze %dma_wait3A_399 : memref<1x1x128xi32, #tpu.memory_space<vmem>> -> memref<128xi32, #tpu.memory_space<vmem>>
    %dma_wait3A_401 = arith.constant 0 : i32
    %dma_wait3A_402 = arith.constant 0 : i32
    %dma_wait3A_403 = tpu.memref_slice %arg5[%dma_wait3A_401, %dma_wait3A_402] : memref<128x128xf32, #tpu.memory_space<vmem_shared>> -> memref<128x128xf32, #tpu.memory_space<vmem_shared>>
    tpu.wait_indirect_dma semaphore(%arg12 : memref<!tpu.dma_semaphore, #tpu.memory_space<semaphore_mem>>) src(%dma_wait3A_403 : memref<128x128xf32, #tpu.memory_space<vmem_shared>>) dst(%dma_wait3A_397 : memref<128x128xf32, #tpu.memory_space<vmem>>)
    %add3A_404 = arith.constant 101888 : i32
    %add3A_405 = arith.addi %mul3A_4, %add3A_404 : i32
    %add3A_406 = arith.constant 0 : i32
    %add3A_407 = arith.addi %add3A_405, %add3A_406 : i32
    %dma_start3A_408 = arith.constant 2 : i32
    %dma_start3A_409 = arith.constant 0 : i32
    %dma_start3A_410 = arith.constant 0 : i32
    %dma_start3A_411 = tpu.memref_slice %arg7[%dma_start3A_408, %dma_start3A_409, %dma_start3A_410] : memref<3x256x128xf32, #tpu.memory_space<vmem>> -> memref<1x128x128xf32, #tpu.memory_space<vmem>>
    %dma_start3A_412 = tpu.memref_squeeze %dma_start3A_411 : memref<1x128x128xf32, #tpu.memory_space<vmem>> -> memref<128x128xf32, #tpu.memory_space<vmem>>
    %dma_start3A_413 = arith.constant 0 : i32
    %dma_start3A_414 = tpu.memref_slice %arg4[%add3A_407, %dma_start3A_413] : memref<3276800x128xf32, #tpu.memory_space<hbm>> -> memref<128x128xf32, #tpu.memory_space<hbm>>
    %dma_start3A_415 = arith.constant 0 : i32
    %dma_start3A_416 = tpu.memref_slice %arg4[%add3A_407, %dma_start3A_415] : memref<3276800x128xf32, #tpu.memory_space<hbm>> -> memref<128x128xf32, #tpu.memory_space<hbm>>
    %dma_start3A_417 = arith.constant 0 : i32
    %dma_start3A_418 = arith.constant 0 : i32
    %dma_start3A_419 = tpu.memref_slice %arg7[%dma_start3A_408, %dma_start3A_417, %dma_start3A_418] : memref<3x256x128xf32, #tpu.memory_space<vmem>> -> memref<1x128x128xf32, #tpu.memory_space<vmem>>
    %dma_start3A_420 = tpu.memref_squeeze %dma_start3A_419 : memref<1x128x128xf32, #tpu.memory_space<vmem>> -> memref<128x128xf32, #tpu.memory_space<vmem>>
    tpu.enqueue_dma source(%dma_start3A_420 : memref<128x128xf32, #tpu.memory_space<vmem>>) target(%dma_start3A_416 : memref<128x128xf32, #tpu.memory_space<hbm>>) target_semaphore(%arg16 : memref<!tpu.dma_semaphore, #tpu.memory_space<semaphore_mem>>)
    %dma_wait3A_421 = arith.constant 2 : i32
    %dma_wait3A_422 = arith.constant 1 : i32
    %dma_wait3A_423 = arith.constant 2 : i32
    %dma_wait3A_424 = arith.constant 128 : i32
    %dma_wait3A_425 = arith.constant 0 : i32
    %dma_wait3A_426 = tpu.memref_slice %arg7[%dma_wait3A_423, %dma_wait3A_424, %dma_wait3A_425] : memref<3x256x128xf32, #tpu.memory_space<vmem>> -> memref<1x128x128xf32, #tpu.memory_space<vmem>>
    %dma_wait3A_427 = tpu.memref_squeeze %dma_wait3A_426 : memref<1x128x128xf32, #tpu.memory_space<vmem>> -> memref<128x128xf32, #tpu.memory_space<vmem>>
    %dma_wait3A_428 = arith.constant 0 : i32
    %dma_wait3A_429 = tpu.memref_slice %arg6[%dma_wait3A_421, %dma_wait3A_422, %dma_wait3A_428] : memref<3x2x128xi32, #tpu.memory_space<vmem>> -> memref<1x1x128xi32, #tpu.memory_space<vmem>>
    %dma_wait3A_430 = tpu.memref_squeeze %dma_wait3A_429 : memref<1x1x128xi32, #tpu.memory_space<vmem>> -> memref<128xi32, #tpu.memory_space<vmem>>
    %dma_wait3A_431 = arith.constant 0 : i32
    %dma_wait3A_432 = arith.constant 0 : i32
    %dma_wait3A_433 = tpu.memref_slice %arg5[%dma_wait3A_431, %dma_wait3A_432] : memref<128x128xf32, #tpu.memory_space<vmem_shared>> -> memref<128x128xf32, #tpu.memory_space<vmem_shared>>
    tpu.wait_indirect_dma semaphore(%arg13 : memref<!tpu.dma_semaphore, #tpu.memory_space<semaphore_mem>>) src(%dma_wait3A_433 : memref<128x128xf32, #tpu.memory_space<vmem_shared>>) dst(%dma_wait3A_427 : memref<128x128xf32, #tpu.memory_space<vmem>>)
    %add3A_434 = arith.constant 101888 : i32
    %add3A_435 = arith.addi %mul3A_4, %add3A_434 : i32
    %add3A_436 = arith.constant 128 : i32
    %add3A_437 = arith.addi %add3A_435, %add3A_436 : i32
    %dma_start3A_438 = arith.constant 2 : i32
    %dma_start3A_439 = arith.constant 128 : i32
    %dma_start3A_440 = arith.constant 0 : i32
    %dma_start3A_441 = tpu.memref_slice %arg7[%dma_start3A_438, %dma_start3A_439, %dma_start3A_440] : memref<3x256x128xf32, #tpu.memory_space<vmem>> -> memref<1x128x128xf32, #tpu.memory_space<vmem>>
    %dma_start3A_442 = tpu.memref_squeeze %dma_start3A_441 : memref<1x128x128xf32, #tpu.memory_space<vmem>> -> memref<128x128xf32, #tpu.memory_space<vmem>>
    %dma_start3A_443 = arith.constant 0 : i32
    %dma_start3A_444 = tpu.memref_slice %arg4[%add3A_437, %dma_start3A_443] : memref<3276800x128xf32, #tpu.memory_space<hbm>> -> memref<128x128xf32, #tpu.memory_space<hbm>>
    %dma_start3A_445 = arith.constant 0 : i32
    %dma_start3A_446 = tpu.memref_slice %arg4[%add3A_437, %dma_start3A_445] : memref<3276800x128xf32, #tpu.memory_space<hbm>> -> memref<128x128xf32, #tpu.memory_space<hbm>>
    %dma_start3A_447 = arith.constant 128 : i32
    %dma_start3A_448 = arith.constant 0 : i32
    %dma_start3A_449 = tpu.memref_slice %arg7[%dma_start3A_438, %dma_start3A_447, %dma_start3A_448] : memref<3x256x128xf32, #tpu.memory_space<vmem>> -> memref<1x128x128xf32, #tpu.memory_space<vmem>>
    %dma_start3A_450 = tpu.memref_squeeze %dma_start3A_449 : memref<1x128x128xf32, #tpu.memory_space<vmem>> -> memref<128x128xf32, #tpu.memory_space<vmem>>
    tpu.enqueue_dma source(%dma_start3A_450 : memref<128x128xf32, #tpu.memory_space<vmem>>) target(%dma_start3A_446 : memref<128x128xf32, #tpu.memory_space<hbm>>) target_semaphore(%arg16 : memref<!tpu.dma_semaphore, #tpu.memory_space<semaphore_mem>>)
    %add3A_451 = arith.constant 802 : i32
    %add3A_452 = arith.addi %mul3A_2, %add3A_451 : i32
    %min3A_453 = arith.constant 25598 : i32
    %min3A_454 = arith.minsi %add3A_452, %min3A_453 : i32
    %dma_start3A_455 = arith.constant 2 : i32
    %dma_start3A_456 = arith.constant 0 : i32
    %dma_start3A_457 = arith.constant 0 : i32
    %dma_start3A_458 = tpu.memref_slice %arg6[%dma_start3A_455, %dma_start3A_456, %dma_start3A_457] : memref<3x2x128xi32, #tpu.memory_space<vmem>> -> memref<1x2x128xi32, #tpu.memory_space<vmem>>
    %dma_start3A_459 = tpu.memref_squeeze %dma_start3A_458 : memref<1x2x128xi32, #tpu.memory_space<vmem>> -> memref<2x128xi32, #tpu.memory_space<vmem>>
    %dma_start3A_460 = arith.constant 0 : i32
    %dma_start3A_461 = tpu.memref_slice %arg3[%min3A_454, %dma_start3A_460] : memref<25600x128xi32, #tpu.memory_space<hbm>> -> memref<2x128xi32, #tpu.memory_space<hbm>>
    %dma_start3A_462 = arith.constant 0 : i32
    %dma_start3A_463 = arith.constant 0 : i32
    %dma_start3A_464 = tpu.memref_slice %arg6[%dma_start3A_455, %dma_start3A_462, %dma_start3A_463] : memref<3x2x128xi32, #tpu.memory_space<vmem>> -> memref<1x2x128xi32, #tpu.memory_space<vmem>>
    %dma_start3A_465 = tpu.memref_squeeze %dma_start3A_464 : memref<1x2x128xi32, #tpu.memory_space<vmem>> -> memref<2x128xi32, #tpu.memory_space<vmem>>
    %dma_start3A_466 = arith.constant 0 : i32
    %dma_start3A_467 = tpu.memref_slice %arg3[%min3A_454, %dma_start3A_466] : memref<25600x128xi32, #tpu.memory_space<hbm>> -> memref<2x128xi32, #tpu.memory_space<hbm>>
    tpu.enqueue_dma source(%dma_start3A_467 : memref<2x128xi32, #tpu.memory_space<hbm>>) target(%dma_start3A_465 : memref<2x128xi32, #tpu.memory_space<vmem>>) target_semaphore(%arg19 : memref<!tpu.dma_semaphore, #tpu.memory_space<semaphore_mem>>)
    %dma_wait3A_468 = arith.constant 0 : i32
    %dma_wait3A_469 = arith.constant 0 : i32
    %dma_wait3A_470 = arith.constant 0 : i32
    %dma_wait3A_471 = arith.constant 0 : i32
    %dma_wait3A_472 = arith.constant 0 : i32
    %dma_wait3A_473 = tpu.memref_slice %arg7[%dma_wait3A_470, %dma_wait3A_471, %dma_wait3A_472] : memref<3x256x128xf32, #tpu.memory_space<vmem>> -> memref<1x128x128xf32, #tpu.memory_space<vmem>>
    %dma_wait3A_474 = tpu.memref_squeeze %dma_wait3A_473 : memref<1x128x128xf32, #tpu.memory_space<vmem>> -> memref<128x128xf32, #tpu.memory_space<vmem>>
    %dma_wait3A_475 = arith.constant 0 : i32
    %dma_wait3A_476 = tpu.memref_slice %arg6[%dma_wait3A_468, %dma_wait3A_469, %dma_wait3A_475] : memref<3x2x128xi32, #tpu.memory_space<vmem>> -> memref<1x1x128xi32, #tpu.memory_space<vmem>>
    %dma_wait3A_477 = tpu.memref_squeeze %dma_wait3A_476 : memref<1x1x128xi32, #tpu.memory_space<vmem>> -> memref<128xi32, #tpu.memory_space<vmem>>
    %dma_wait3A_478 = arith.constant 0 : i32
    %dma_wait3A_479 = arith.constant 0 : i32
    %dma_wait3A_480 = tpu.memref_slice %arg5[%dma_wait3A_478, %dma_wait3A_479] : memref<128x128xf32, #tpu.memory_space<vmem_shared>> -> memref<128x128xf32, #tpu.memory_space<vmem_shared>>
    tpu.wait_indirect_dma semaphore(%arg8 : memref<!tpu.dma_semaphore, #tpu.memory_space<semaphore_mem>>) src(%dma_wait3A_480 : memref<128x128xf32, #tpu.memory_space<vmem_shared>>) dst(%dma_wait3A_474 : memref<128x128xf32, #tpu.memory_space<vmem>>)
    %add3A_481 = arith.constant 102144 : i32
    %add3A_482 = arith.addi %mul3A_4, %add3A_481 : i32
    %add3A_483 = arith.constant 0 : i32
    %add3A_484 = arith.addi %add3A_482, %add3A_483 : i32
    %dma_start3A_485 = arith.constant 0 : i32
    %dma_start3A_486 = arith.constant 0 : i32
    %dma_start3A_487 = arith.constant 0 : i32
    %dma_start3A_488 = tpu.memref_slice %arg7[%dma_start3A_485, %dma_start3A_486, %dma_start3A_487] : memref<3x256x128xf32, #tpu.memory_space<vmem>> -> memref<1x128x128xf32, #tpu.memory_space<vmem>>
    %dma_start3A_489 = tpu.memref_squeeze %dma_start3A_488 : memref<1x128x128xf32, #tpu.memory_space<vmem>> -> memref<128x128xf32, #tpu.memory_space<vmem>>
    %dma_start3A_490 = arith.constant 0 : i32
    %dma_start3A_491 = tpu.memref_slice %arg4[%add3A_484, %dma_start3A_490] : memref<3276800x128xf32, #tpu.memory_space<hbm>> -> memref<128x128xf32, #tpu.memory_space<hbm>>
    %dma_start3A_492 = arith.constant 0 : i32
    %dma_start3A_493 = tpu.memref_slice %arg4[%add3A_484, %dma_start3A_492] : memref<3276800x128xf32, #tpu.memory_space<hbm>> -> memref<128x128xf32, #tpu.memory_space<hbm>>
    %dma_start3A_494 = arith.constant 0 : i32
    %dma_start3A_495 = arith.constant 0 : i32
    %dma_start3A_496 = tpu.memref_slice %arg7[%dma_start3A_485, %dma_start3A_494, %dma_start3A_495] : memref<3x256x128xf32, #tpu.memory_space<vmem>> -> memref<1x128x128xf32, #tpu.memory_space<vmem>>
    %dma_start3A_497 = tpu.memref_squeeze %dma_start3A_496 : memref<1x128x128xf32, #tpu.memory_space<vmem>> -> memref<128x128xf32, #tpu.memory_space<vmem>>
    tpu.enqueue_dma source(%dma_start3A_497 : memref<128x128xf32, #tpu.memory_space<vmem>>) target(%dma_start3A_493 : memref<128x128xf32, #tpu.memory_space<hbm>>) target_semaphore(%arg14 : memref<!tpu.dma_semaphore, #tpu.memory_space<semaphore_mem>>)
    %dma_wait3A_498 = arith.constant 0 : i32
    %dma_wait3A_499 = arith.constant 1 : i32
    %dma_wait3A_500 = arith.constant 0 : i32
    %dma_wait3A_501 = arith.constant 128 : i32
    %dma_wait3A_502 = arith.constant 0 : i32
    %dma_wait3A_503 = tpu.memref_slice %arg7[%dma_wait3A_500, %dma_wait3A_501, %dma_wait3A_502] : memref<3x256x128xf32, #tpu.memory_space<vmem>> -> memref<1x128x128xf32, #tpu.memory_space<vmem>>
    %dma_wait3A_504 = tpu.memref_squeeze %dma_wait3A_503 : memref<1x128x128xf32, #tpu.memory_space<vmem>> -> memref<128x128xf32, #tpu.memory_space<vmem>>
    %dma_wait3A_505 = arith.constant 0 : i32
    %dma_wait3A_506 = tpu.memref_slice %arg6[%dma_wait3A_498, %dma_wait3A_499, %dma_wait3A_505] : memref<3x2x128xi32, #tpu.memory_space<vmem>> -> memref<1x1x128xi32, #tpu.memory_space<vmem>>
    %dma_wait3A_507 = tpu.memref_squeeze %dma_wait3A_506 : memref<1x1x128xi32, #tpu.memory_space<vmem>> -> memref<128xi32, #tpu.memory_space<vmem>>
    %dma_wait3A_508 = arith.constant 0 : i32
    %dma_wait3A_509 = arith.constant 0 : i32
    %dma_wait3A_510 = tpu.memref_slice %arg5[%dma_wait3A_508, %dma_wait3A_509] : memref<128x128xf32, #tpu.memory_space<vmem_shared>> -> memref<128x128xf32, #tpu.memory_space<vmem_shared>>
    tpu.wait_indirect_dma semaphore(%arg9 : memref<!tpu.dma_semaphore, #tpu.memory_space<semaphore_mem>>) src(%dma_wait3A_510 : memref<128x128xf32, #tpu.memory_space<vmem_shared>>) dst(%dma_wait3A_504 : memref<128x128xf32, #tpu.memory_space<vmem>>)
    %add3A_511 = arith.constant 102144 : i32
    %add3A_512 = arith.addi %mul3A_4, %add3A_511 : i32
    %add3A_513 = arith.constant 128 : i32
    %add3A_514 = arith.addi %add3A_512, %add3A_513 : i32
    %dma_start3A_515 = arith.constant 0 : i32
    %dma_start3A_516 = arith.constant 128 : i32
    %dma_start3A_517 = arith.constant 0 : i32
    %dma_start3A_518 = tpu.memref_slice %arg7[%dma_start3A_515, %dma_start3A_516, %dma_start3A_517] : memref<3x256x128xf32, #tpu.memory_space<vmem>> -> memref<1x128x128xf32, #tpu.memory_space<vmem>>
    %dma_start3A_519 = tpu.memref_squeeze %dma_start3A_518 : memref<1x128x128xf32, #tpu.memory_space<vmem>> -> memref<128x128xf32, #tpu.memory_space<vmem>>
    %dma_start3A_520 = arith.constant 0 : i32
    %dma_start3A_521 = tpu.memref_slice %arg4[%add3A_514, %dma_start3A_520] : memref<3276800x128xf32, #tpu.memory_space<hbm>> -> memref<128x128xf32, #tpu.memory_space<hbm>>
    %dma_start3A_522 = arith.constant 0 : i32
    %dma_start3A_523 = tpu.memref_slice %arg4[%add3A_514, %dma_start3A_522] : memref<3276800x128xf32, #tpu.memory_space<hbm>> -> memref<128x128xf32, #tpu.memory_space<hbm>>
    %dma_start3A_524 = arith.constant 128 : i32
    %dma_start3A_525 = arith.constant 0 : i32
    %dma_start3A_526 = tpu.memref_slice %arg7[%dma_start3A_515, %dma_start3A_524, %dma_start3A_525] : memref<3x256x128xf32, #tpu.memory_space<vmem>> -> memref<1x128x128xf32, #tpu.memory_space<vmem>>
    %dma_start3A_527 = tpu.memref_squeeze %dma_start3A_526 : memref<1x128x128xf32, #tpu.memory_space<vmem>> -> memref<128x128xf32, #tpu.memory_space<vmem>>
    tpu.enqueue_dma source(%dma_start3A_527 : memref<128x128xf32, #tpu.memory_space<vmem>>) target(%dma_start3A_523 : memref<128x128xf32, #tpu.memory_space<hbm>>) target_semaphore(%arg14 : memref<!tpu.dma_semaphore, #tpu.memory_space<semaphore_mem>>)
    %add3A_528 = arith.constant 804 : i32
    %add3A_529 = arith.addi %mul3A_2, %add3A_528 : i32
    %min3A_530 = arith.constant 25598 : i32
    %min3A_531 = arith.minsi %add3A_529, %min3A_530 : i32
    %dma_start3A_532 = arith.constant 0 : i32
    %dma_start3A_533 = arith.constant 0 : i32
    %dma_start3A_534 = arith.constant 0 : i32
    %dma_start3A_535 = tpu.memref_slice %arg6[%dma_start3A_532, %dma_start3A_533, %dma_start3A_534] : memref<3x2x128xi32, #tpu.memory_space<vmem>> -> memref<1x2x128xi32, #tpu.memory_space<vmem>>
    %dma_start3A_536 = tpu.memref_squeeze %dma_start3A_535 : memref<1x2x128xi32, #tpu.memory_space<vmem>> -> memref<2x128xi32, #tpu.memory_space<vmem>>
    %dma_start3A_537 = arith.constant 0 : i32
    %dma_start3A_538 = tpu.memref_slice %arg3[%min3A_531, %dma_start3A_537] : memref<25600x128xi32, #tpu.memory_space<hbm>> -> memref<2x128xi32, #tpu.memory_space<hbm>>
    %dma_start3A_539 = arith.constant 0 : i32
    %dma_start3A_540 = arith.constant 0 : i32
    %dma_start3A_541 = tpu.memref_slice %arg6[%dma_start3A_532, %dma_start3A_539, %dma_start3A_540] : memref<3x2x128xi32, #tpu.memory_space<vmem>> -> memref<1x2x128xi32, #tpu.memory_space<vmem>>
    %dma_start3A_542 = tpu.memref_squeeze %dma_start3A_541 : memref<1x2x128xi32, #tpu.memory_space<vmem>> -> memref<2x128xi32, #tpu.memory_space<vmem>>
    %dma_start3A_543 = arith.constant 0 : i32
    %dma_start3A_544 = tpu.memref_slice %arg3[%min3A_531, %dma_start3A_543] : memref<25600x128xi32, #tpu.memory_space<hbm>> -> memref<2x128xi32, #tpu.memory_space<hbm>>
    tpu.enqueue_dma source(%dma_start3A_544 : memref<2x128xi32, #tpu.memory_space<hbm>>) target(%dma_start3A_542 : memref<2x128xi32, #tpu.memory_space<vmem>>) target_semaphore(%arg17 : memref<!tpu.dma_semaphore, #tpu.memory_space<semaphore_mem>>)
    %dma_wait3A_545 = arith.constant 0 : i32
    %dma_wait3A_546 = arith.constant 0 : i32
    %dma_wait3A_547 = arith.constant 0 : i32
    %dma_wait3A_548 = tpu.memref_slice %arg7[%dma_wait3A_545, %dma_wait3A_546, %dma_wait3A_547] : memref<3x256x128xf32, #tpu.memory_space<vmem>> -> memref<1x256x128xf32, #tpu.memory_space<vmem>>
    %dma_wait3A_549 = tpu.memref_squeeze %dma_wait3A_548 : memref<1x256x128xf32, #tpu.memory_space<vmem>> -> memref<256x128xf32, #tpu.memory_space<vmem>>
    %dma_wait3A_550 = arith.constant 0 : i32
    %dma_wait3A_551 = tpu.memref_slice %arg4[%mul3A_4, %dma_wait3A_550] : memref<3276800x128xf32, #tpu.memory_space<hbm>> -> memref<256x128xf32, #tpu.memory_space<hbm>>
    %dma_wait3A_552 = arith.constant 0 : i32
    %dma_wait3A_553 = tpu.memref_slice %arg4[%mul3A_4, %dma_wait3A_552] : memref<3276800x128xf32, #tpu.memory_space<hbm>> -> memref<256x128xf32, #tpu.memory_space<hbm>>
    %dma_wait3A_554 = arith.constant 0 : i32
    %dma_wait3A_555 = arith.constant 0 : i32
    %dma_wait3A_556 = tpu.memref_slice %arg7[%dma_wait3A_545, %dma_wait3A_554, %dma_wait3A_555] : memref<3x256x128xf32, #tpu.memory_space<vmem>> -> memref<1x256x128xf32, #tpu.memory_space<vmem>>
    %dma_wait3A_557 = tpu.memref_squeeze %dma_wait3A_556 : memref<1x256x128xf32, #tpu.memory_space<vmem>> -> memref<256x128xf32, #tpu.memory_space<vmem>>
    tpu.wait_dma2 semaphore(%arg14 : memref<!tpu.dma_semaphore, #tpu.memory_space<semaphore_mem>>) src(%dma_wait3A_557 : memref<256x128xf32, #tpu.memory_space<vmem>>) dst(%dma_wait3A_553 : memref<256x128xf32, #tpu.memory_space<hbm>>)
    %dma_wait3A_558 = arith.constant 0 : i32
    %dma_wait3A_559 = arith.constant 0 : i32
    %dma_wait3A_560 = arith.constant 0 : i32
    %dma_wait3A_561 = tpu.memref_slice %arg6[%dma_wait3A_558, %dma_wait3A_559, %dma_wait3A_560] : memref<3x2x128xi32, #tpu.memory_space<vmem>> -> memref<1x2x128xi32, #tpu.memory_space<vmem>>
    %dma_wait3A_562 = tpu.memref_squeeze %dma_wait3A_561 : memref<1x2x128xi32, #tpu.memory_space<vmem>> -> memref<2x128xi32, #tpu.memory_space<vmem>>
    %dma_wait3A_563 = arith.constant 0 : i32
    %dma_wait3A_564 = arith.constant 0 : i32
    %dma_wait3A_565 = tpu.memref_slice %arg3[%dma_wait3A_563, %dma_wait3A_564] : memref<25600x128xi32, #tpu.memory_space<hbm>> -> memref<2x128xi32, #tpu.memory_space<hbm>>
    %dma_wait3A_566 = arith.constant 0 : i32
    %dma_wait3A_567 = arith.constant 0 : i32
    %dma_wait3A_568 = tpu.memref_slice %arg6[%dma_wait3A_558, %dma_wait3A_566, %dma_wait3A_567] : memref<3x2x128xi32, #tpu.memory_space<vmem>> -> memref<1x2x128xi32, #tpu.memory_space<vmem>>
    %dma_wait3A_569 = tpu.memref_squeeze %dma_wait3A_568 : memref<1x2x128xi32, #tpu.memory_space<vmem>> -> memref<2x128xi32, #tpu.memory_space<vmem>>
    %dma_wait3A_570 = arith.constant 0 : i32
    %dma_wait3A_571 = arith.constant 0 : i32
    %dma_wait3A_572 = tpu.memref_slice %arg3[%dma_wait3A_570, %dma_wait3A_571] : memref<25600x128xi32, #tpu.memory_space<hbm>> -> memref<2x128xi32, #tpu.memory_space<hbm>>
    tpu.wait_dma2 semaphore(%arg17 : memref<!tpu.dma_semaphore, #tpu.memory_space<semaphore_mem>>) src(%dma_wait3A_572 : memref<2x128xi32, #tpu.memory_space<hbm>>) dst(%dma_wait3A_569 : memref<2x128xi32, #tpu.memory_space<vmem>>)
    %dma_wait3A_573 = arith.constant 1 : i32
    %dma_wait3A_574 = arith.constant 0 : i32
    %dma_wait3A_575 = arith.constant 0 : i32
    %dma_wait3A_576 = tpu.memref_slice %arg7[%dma_wait3A_573, %dma_wait3A_574, %dma_wait3A_575] : memref<3x256x128xf32, #tpu.memory_space<vmem>> -> memref<1x256x128xf32, #tpu.memory_space<vmem>>
    %dma_wait3A_577 = tpu.memref_squeeze %dma_wait3A_576 : memref<1x256x128xf32, #tpu.memory_space<vmem>> -> memref<256x128xf32, #tpu.memory_space<vmem>>
    %dma_wait3A_578 = arith.constant 0 : i32
    %dma_wait3A_579 = tpu.memref_slice %arg4[%mul3A_4, %dma_wait3A_578] : memref<3276800x128xf32, #tpu.memory_space<hbm>> -> memref<256x128xf32, #tpu.memory_space<hbm>>
    %dma_wait3A_580 = arith.constant 0 : i32
    %dma_wait3A_581 = tpu.memref_slice %arg4[%mul3A_4, %dma_wait3A_580] : memref<3276800x128xf32, #tpu.memory_space<hbm>> -> memref<256x128xf32, #tpu.memory_space<hbm>>
    %dma_wait3A_582 = arith.constant 0 : i32
    %dma_wait3A_583 = arith.constant 0 : i32
    %dma_wait3A_584 = tpu.memref_slice %arg7[%dma_wait3A_573, %dma_wait3A_582, %dma_wait3A_583] : memref<3x256x128xf32, #tpu.memory_space<vmem>> -> memref<1x256x128xf32, #tpu.memory_space<vmem>>
    %dma_wait3A_585 = tpu.memref_squeeze %dma_wait3A_584 : memref<1x256x128xf32, #tpu.memory_space<vmem>> -> memref<256x128xf32, #tpu.memory_space<vmem>>
    tpu.wait_dma2 semaphore(%arg15 : memref<!tpu.dma_semaphore, #tpu.memory_space<semaphore_mem>>) src(%dma_wait3A_585 : memref<256x128xf32, #tpu.memory_space<vmem>>) dst(%dma_wait3A_581 : memref<256x128xf32, #tpu.memory_space<hbm>>)
    %dma_wait3A_586 = arith.constant 1 : i32
    %dma_wait3A_587 = arith.constant 0 : i32
    %dma_wait3A_588 = arith.constant 0 : i32
    %dma_wait3A_589 = tpu.memref_slice %arg6[%dma_wait3A_586, %dma_wait3A_587, %dma_wait3A_588] : memref<3x2x128xi32, #tpu.memory_space<vmem>> -> memref<1x2x128xi32, #tpu.memory_space<vmem>>
    %dma_wait3A_590 = tpu.memref_squeeze %dma_wait3A_589 : memref<1x2x128xi32, #tpu.memory_space<vmem>> -> memref<2x128xi32, #tpu.memory_space<vmem>>
    %dma_wait3A_591 = arith.constant 0 : i32
    %dma_wait3A_592 = arith.constant 0 : i32
    %dma_wait3A_593 = tpu.memref_slice %arg3[%dma_wait3A_591, %dma_wait3A_592] : memref<25600x128xi32, #tpu.memory_space<hbm>> -> memref<2x128xi32, #tpu.memory_space<hbm>>
    %dma_wait3A_594 = arith.constant 0 : i32
    %dma_wait3A_595 = arith.constant 0 : i32
    %dma_wait3A_596 = tpu.memref_slice %arg6[%dma_wait3A_586, %dma_wait3A_594, %dma_wait3A_595] : memref<3x2x128xi32, #tpu.memory_space<vmem>> -> memref<1x2x128xi32, #tpu.memory_space<vmem>>
    %dma_wait3A_597 = tpu.memref_squeeze %dma_wait3A_596 : memref<1x2x128xi32, #tpu.memory_space<vmem>> -> memref<2x128xi32, #tpu.memory_space<vmem>>
    %dma_wait3A_598 = arith.constant 0 : i32
    %dma_wait3A_599 = arith.constant 0 : i32
    %dma_wait3A_600 = tpu.memref_slice %arg3[%dma_wait3A_598, %dma_wait3A_599] : memref<25600x128xi32, #tpu.memory_space<hbm>> -> memref<2x128xi32, #tpu.memory_space<hbm>>
    tpu.wait_dma2 semaphore(%arg18 : memref<!tpu.dma_semaphore, #tpu.memory_space<semaphore_mem>>) src(%dma_wait3A_600 : memref<2x128xi32, #tpu.memory_space<hbm>>) dst(%dma_wait3A_597 : memref<2x128xi32, #tpu.memory_space<vmem>>)
    %dma_wait3A_601 = arith.constant 2 : i32
    %dma_wait3A_602 = arith.constant 0 : i32
    %dma_wait3A_603 = arith.constant 0 : i32
    %dma_wait3A_604 = tpu.memref_slice %arg7[%dma_wait3A_601, %dma_wait3A_602, %dma_wait3A_603] : memref<3x256x128xf32, #tpu.memory_space<vmem>> -> memref<1x256x128xf32, #tpu.memory_space<vmem>>
    %dma_wait3A_605 = tpu.memref_squeeze %dma_wait3A_604 : memref<1x256x128xf32, #tpu.memory_space<vmem>> -> memref<256x128xf32, #tpu.memory_space<vmem>>
    %dma_wait3A_606 = arith.constant 0 : i32
    %dma_wait3A_607 = tpu.memref_slice %arg4[%mul3A_4, %dma_wait3A_606] : memref<3276800x128xf32, #tpu.memory_space<hbm>> -> memref<256x128xf32, #tpu.memory_space<hbm>>
    %dma_wait3A_608 = arith.constant 0 : i32
    %dma_wait3A_609 = tpu.memref_slice %arg4[%mul3A_4, %dma_wait3A_608] : memref<3276800x128xf32, #tpu.memory_space<hbm>> -> memref<256x128xf32, #tpu.memory_space<hbm>>
    %dma_wait3A_610 = arith.constant 0 : i32
    %dma_wait3A_611 = arith.constant 0 : i32
    %dma_wait3A_612 = tpu.memref_slice %arg7[%dma_wait3A_601, %dma_wait3A_610, %dma_wait3A_611] : memref<3x256x128xf32, #tpu.memory_space<vmem>> -> memref<1x256x128xf32, #tpu.memory_space<vmem>>
    %dma_wait3A_613 = tpu.memref_squeeze %dma_wait3A_612 : memref<1x256x128xf32, #tpu.memory_space<vmem>> -> memref<256x128xf32, #tpu.memory_space<vmem>>
    tpu.wait_dma2 semaphore(%arg16 : memref<!tpu.dma_semaphore, #tpu.memory_space<semaphore_mem>>) src(%dma_wait3A_613 : memref<256x128xf32, #tpu.memory_space<vmem>>) dst(%dma_wait3A_609 : memref<256x128xf32, #tpu.memory_space<hbm>>)
    %dma_wait3A_614 = arith.constant 2 : i32
    %dma_wait3A_615 = arith.constant 0 : i32
    %dma_wait3A_616 = arith.constant 0 : i32
    %dma_wait3A_617 = tpu.memref_slice %arg6[%dma_wait3A_614, %dma_wait3A_615, %dma_wait3A_616] : memref<3x2x128xi32, #tpu.memory_space<vmem>> -> memref<1x2x128xi32, #tpu.memory_space<vmem>>
    %dma_wait3A_618 = tpu.memref_squeeze %dma_wait3A_617 : memref<1x2x128xi32, #tpu.memory_space<vmem>> -> memref<2x128xi32, #tpu.memory_space<vmem>>
    %dma_wait3A_619 = arith.constant 0 : i32
    %dma_wait3A_620 = arith.constant 0 : i32
    %dma_wait3A_621 = tpu.memref_slice %arg3[%dma_wait3A_619, %dma_wait3A_620] : memref<25600x128xi32, #tpu.memory_space<hbm>> -> memref<2x128xi32, #tpu.memory_space<hbm>>
    %dma_wait3A_622 = arith.constant 0 : i32
    %dma_wait3A_623 = arith.constant 0 : i32
    %dma_wait3A_624 = tpu.memref_slice %arg6[%dma_wait3A_614, %dma_wait3A_622, %dma_wait3A_623] : memref<3x2x128xi32, #tpu.memory_space<vmem>> -> memref<1x2x128xi32, #tpu.memory_space<vmem>>
    %dma_wait3A_625 = tpu.memref_squeeze %dma_wait3A_624 : memref<1x2x128xi32, #tpu.memory_space<vmem>> -> memref<2x128xi32, #tpu.memory_space<vmem>>
    %dma_wait3A_626 = arith.constant 0 : i32
    %dma_wait3A_627 = arith.constant 0 : i32
    %dma_wait3A_628 = tpu.memref_slice %arg3[%dma_wait3A_626, %dma_wait3A_627] : memref<25600x128xi32, #tpu.memory_space<hbm>> -> memref<2x128xi32, #tpu.memory_space<hbm>>
    tpu.wait_dma2 semaphore(%arg19 : memref<!tpu.dma_semaphore, #tpu.memory_space<semaphore_mem>>) src(%dma_wait3A_628 : memref<2x128xi32, #tpu.memory_space<hbm>>) dst(%dma_wait3A_625 : memref<2x128xi32, #tpu.memory_space<vmem>>)
    return
  }
}

module attributes {stable_mosaic.version = 14 : i64} {
  func.func @_proj_body(%arg0: memref<128x128xf32, #tpu.memory_space<vmem>>, %arg1: memref<128x128xf32, #tpu.memory_space<vmem>>, %arg2: memref<1x128xf32, #tpu.memory_space<vmem>>, %arg3: memref<128x128xf32, #tpu.memory_space<vmem>>) attributes {dimension_semantics = [], scalar_prefetch = 0 : i64, scratch_operands = 0 : i64, tpu.core_type = #tpu.core_type<tc>} {
    %get3A = arith.constant 0 : index
    %get3A_0 = arith.constant 0 : index
    %get3A_1 = vector.load %arg0[%get3A, %get3A_0] : memref<128x128xf32, #tpu.memory_space<vmem>>, vector<128x128xf32>
    %get3A_2 = arith.constant 0 : index
    %get3A_3 = arith.constant 0 : index
    %get3A_4 = vector.load %arg1[%get3A_2, %get3A_3] : memref<128x128xf32, #tpu.memory_space<vmem>>, vector<128x128xf32>
    %dot_general3A = arith.constant dense<0.000000e+00> : vector<128x128xf32>
    %dot_general3A_5 = tpu.matmul %get3A_1, %get3A_4, %dot_general3A {dimension_numbers = #tpu.dot_dimension_numbers<[1], [1], [0], [0], [0, 0, 1, 0], [], []>, transpose_lhs_hint = false} : vector<128x128xf32>, vector<128x128xf32>, vector<128x128xf32> -> vector<128x128xf32>
    %get3A_6 = arith.constant 0 : index
    %get3A_7 = arith.constant 0 : index
    %get3A_8 = vector.load %arg2[%get3A_6, %get3A_7] : memref<1x128xf32, #tpu.memory_space<vmem>>, vector<1x128xf32>
    %add3A = vector.broadcast %get3A_8 : vector<1x128xf32> to vector<128x128xf32>
    %add3A_9 = arith.addf %dot_general3A_5, %add3A : vector<128x128xf32>
    %swap3A = arith.constant 0 : index
    %swap3A_10 = arith.constant 0 : index
    %swap3A_11 = vector.load %arg3[%swap3A, %swap3A_10] : memref<128x128xf32, #tpu.memory_space<vmem>>, vector<128x128xf32>
    tpu.vector_store %arg3[%swap3A, %swap3A_10], %add3A_9 {strides = array<i32>} : memref<128x128xf32, #tpu.memory_space<vmem>>, vector<128x128xf32>,
    return
  }
}

</mosaic_0001>

<sc_bundles>
// kernel: kernel.4.cloned.1.call-start
scs
__scs_entry_jumppad:
0x0: {  	(pc) =	sbr.rel $0x88, $3  }
0x1: {  	(tag) =	ssettag $0x0;
	lr =	simm.s32 $0x1  }
0x2: {  	[smem:$0x3F9D] =	sst lr;
	_ =	strace $0xD0000000  }
0x3: {  	_ = 	snop  }
0x4: {  	_ = 	snop  }
0x5: {  	_ = 	snop  }
0x6: {  	_ = 	snop  }
0x7: {  	_ = 	snop  }
__scs_overlays_trampoline_lowered:
0x8: {  	[smem:$0x3FAC] =	sst s0  }
0x9: {  	[smem:$0x3FAD] =	sst s1  }
0xa: {  	[smem:$0x3FAE] =	sst s2  }
0xb: {  	[smem:$0x3FAF] =	sst s3  }
0xc: {  	[smem:$0x3FB0] =	sst s4  }
0xd: {  	[smem:$0x3FB1] =	sst s5  }
0xe: {  	[smem:$0x3FB2] =	sst s6  }
0xf: {  	[smem:$0x3FB3] =	sst s7  }
0x10: {  	[smem:$0x3FB4] =	sst s8  }
0x11: {  	[smem:$0x3FB5] =	sst s9;
	s0 =	simm.s32 @!p0 $0x0  }
0x12: {  	s1 =	sld [smem:$0x3F9B];
	s0 =	simm.s32 @p0 $0x1  }
0x13: {  	[smem:$0x3FB6] =	sst s0;
	s0 =	simm.s32 @!p1 $0x0  }
0x14: {  	s2 =	sld [smem:$0x3F9A];
	s0 =	simm.s32 @p1 $0x1  }
0x15: {  	[smem:$0x3FB7] =	sst s0;
	s0 =	simm.s32 @!p2 $0x0  }
0x16: {  	s3 =	sld [smem:$0x3FDB];
	s0 =	simm.s32 @p2 $0x1  }
0x17: {  	s4 =	simm.s32 $0x1BF5;
	[smem:$0x3FB9] =	sst s0  }
0x18: {  	s0 =	sld [smem:$0x3F9C];
	_ =	swait.ge [sflag:s4], $0x0  }
0x19: {  	s7 =	sld [smem:$0x3F9D]  }
0x1a: {  	s8 =	sadd.s32 $0xFFFFE003, lr  }
0x1b: {  	s9 =	sadd.s32 $0xFFFFFEF7, lr;
	s5 =	simm.s32 $0xFFFFFFFF;
	p2 =	slt.u32 s8, $0xFFFFF086  }
0x1c: {  	p1 =	slt.u32 s9, $0xF7A;
	s5 =	simm.s32 @!p2 $0x0  }
0x1d: {  	s5 =	simm.s32 @p1 $0x1;
	p0 =	seq.s32 s7, s2  }
0x1e: {  	s7 =	smul.u32 @!p0 $0xF7A, s2;
	p2 =	seq.s32 @!p0 s5, $0x0  }
0x1f: {  	s9 =	smul.u32 $0xF7A, s1;
	s8 =	simm.s32 @!p0 $0x1BF5;
	p2 =	por !p2, p0  }
0x20: {  	[sflag:s8] =	ssyncset.s32 @!p0 $0xFFFFF086;
	s6 =	sadd.s32 @!p0 s3, s7;
	s7 =	simm.s32 @!p0 $0x108  }
0x21: {  	s3 =	sadd.s32 s3, s9;
	s6 =	sadd.s32 @!p0 $0x88, s6;
	s7 =	simm.s32 @p2 $0x1082  }
0x22: {  	[simem:s7], [sflag:s8] =	dma.local @!p0 [hbm:s6], $0xF7A  }
0x23: {  	s9 =	sor.u32 $0xD0000000, s2;
	s6 =	simm.s32 $0x108;
	_ =	swait.ge @!p0 [sflag:s8], $0x0  }
0x24: {  	s3 =	sadd.s32 $0x88, s3;
	s6 =	simm.s32 @!p1 $0x1082;
	[sflag:s4] =	ssyncset.s32 $0xFFFFF086  }
0x25: {  	[simem:s6], [sflag:s4] =	dma.local [hbm:s3], $0xF7A  }
0x26: {  	[smem:$0x3F9D] =	sst s1;
	(tag) =	ssettag s2;
	_ =	strace s9  }
0x27: {  	s1 =	sld [smem:$0x3FAD]  }
0x28: {  	s2 =	sld [smem:$0x3FAE]  }
0x29: {  	s4 =	sld [smem:$0x3FB0]  }
0x2a: {  	p0 =	seq.s32 s5, $0x0;
	s5 =	sld [smem:$0x3FB1]  }
0x2b: {  	s6 =	sld [smem:$0x3FB2]  }
0x2c: {  	s7 =	sld [smem:$0x3FB3]  }
0x2d: {  	s3 =	simm.s32 $0x108;
	s8 =	sld [smem:$0x3FB4]  }
0x2e: {  	s3 =	simm.s32 @!p0 $0x1082;
	s9 =	sld [smem:$0x3FB5]  }
0x2f: {  	lr =	sadd.s32 s0, s3;
	s0 =	sld [smem:$0x3FAC]  }
0x30: {  	s3 =	sld [smem:$0x3FAF]  }
0x31: {  	[smem:$0x3FB8] =	sst s10  }
0x32: {  	s10 =	sld [smem:$0x3FB6];
	_ =	sdelay $0x3  }
0x33: {  	p0 =	seq.s32 s10, $0x1;
	s10 =	sld [smem:$0x3FB8];
	_ =	sdelay $0x3  }
0x34: {  	[smem:$0x3FB8] =	sst s10  }
0x35: {  	s10 =	sld [smem:$0x3FB7];
	_ =	sdelay $0x3  }
0x36: {  	p1 =	seq.s32 s10, $0x1;
	s10 =	sld [smem:$0x3FB8];
	_ =	sdelay $0x3  }
0x37: {  	[smem:$0x3FB8] =	sst s10  }
0x38: {  	s10 =	sld [smem:$0x3FB9]  }
0x39: {  	_ = 	snop;
	(pc) =	sbr.ind lr, $3  }
0x3a: {  	_ = 	snop  }
0x3b: {  	_ = 	snop  }
0x3c: {  	p2 =	seq.s32 s10, $0x1;
	s10 =	sld [smem:$0x3FB8]  }
0x3d: {  	_ =	shalt  }
0x3e: {  	_ =	shalt  }
0x3f: {  	_ =	shalt  }
0x40: {  	_ =	shalt  }
0x41: {  	_ =	shalt  }
0x42: {  	_ =	shalt  }
0x43: {  	_ =	shalt  }
0x44: {  	_ =	shalt  }
0x45: {  	_ =	shalt  }
0x46: {  	_ =	shalt  }
0x47: {  	_ =	shalt  }
0x48: {  	_ =	shalt  }
0x49: {  	_ =	shalt  }
0x4a: {  	_ =	shalt  }
0x4b: {  	_ =	shalt  }
0x4c: {  	_ =	shalt  }
0x4d: {  	_ =	shalt  }
0x4e: {  	_ =	shalt  }
0x4f: {  	_ =	shalt  }
0x50: {  	_ =	shalt  }
0x51: {  	_ =	shalt  }
0x52: {  	_ =	shalt  }
0x53: {  	_ =	shalt  }
0x54: {  	_ =	shalt  }
0x55: {  	_ =	shalt  }
0x56: {  	_ =	shalt  }
0x57: {  	_ =	shalt  }
0x58: {  	_ =	shalt  }
0x59: {  	_ =	shalt  }
0x5a: {  	_ =	shalt  }
0x5b: {  	_ =	shalt  }
0x5c: {  	_ =	shalt  }
0x5d: {  	_ =	shalt  }
0x5e: {  	_ =	shalt  }
0x5f: {  	_ =	shalt  }
0x60: {  	_ =	shalt  }
0x61: {  	_ =	shalt  }
0x62: {  	_ =	shalt  }
0x63: {  	_ =	shalt  }
0x64: {  	_ =	shalt  }
0x65: {  	_ =	shalt  }
0x66: {  	_ =	shalt  }
0x67: {  	_ =	shalt  }
0x68: {  	_ =	shalt  }
0x69: {  	_ =	shalt  }
0x6a: {  	_ =	shalt  }
0x6b: {  	_ =	shalt  }
0x6c: {  	_ =	shalt  }
0x6d: {  	_ =	shalt  }
0x6e: {  	_ =	shalt  }
0x6f: {  	_ =	shalt  }
0x70: {  	_ =	shalt  }
0x71: {  	_ =	shalt  }
0x72: {  	_ =	shalt  }
0x73: {  	_ =	shalt  }
0x74: {  	_ =	shalt  }
0x75: {  	_ =	shalt  }
0x76: {  	_ =	shalt  }
0x77: {  	_ =	shalt  }
0x78: {  	_ =	shalt  }
0x79: {  	_ =	shalt  }
0x7a: {  	_ =	shalt  }
0x7b: {  	_ =	shalt  }
0x7c: {  	_ =	shalt  }
0x7d: {  	_ =	shalt  }
0x7e: {  	_ =	shalt  }
0x7f: {  	_ =	shalt  }
0x80: {  	_ =	shalt  }
0x81: {  	_ =	shalt  }
0x82: {  	_ =	shalt  }
0x83: {  	_ =	shalt  }
0x84: {  	_ =	shalt  }
0x85: {  	_ =	shalt  }
0x86: {  	_ =	shalt  }
0x87: {  	_ =	shalt  }
.Lfunc_end0:
.L_simem_size_0:
called_computation_lowered:
.L_overlay_start_0:
0x88: {  	s2 =	sld [smem:$0x3FD9]  }
0x89: {  	s3 =	sld [smem:$0x3FFE];
	_ =	sdelay $0x1  }
0x8a: {  	s1 =	srdreg.scid  }
0x8b: {  	s0 =	sand.u32 $0x1, s1  }
0x8c: {  	s17 =	sshll.u32 s0, $0xA;
	s2 =	sadd.s32 s3, s2  }
0x8d: {  	s2 =	sadd.s32 s2, s17  }
0x8e: {  	[smem:$0x3FC4] =	sst s2  }
0x8f: {  	_ = 	snop  }
0x90: {  	s2 =	sld [smem:$0x3FD0];
	(tm) =	ssettm $0x1  }
0x91: {  	s18 =	sld [smem:$0x3FFB];
	_ =	sdelay $0x3  }
0x92: {  	_ =	strace s18  }
0x93: {  	s3 =	sld [smem:$0x3FFC];
	_ =	sdelay $0x3  }
0x94: {  	_ =	strace s3  }
0x95: {  	s3 =	sld [smem:$0x3FFD];
	_ =	sdelay $0x3  }
0x96: {  	_ =	strace s3  }
0x97: {  	_ =	strace $0x8FFFFFFF  }
0x98: {  	s19 =	sld [smem:$0x3FDB];
	_ =	sdelay $0x1  }
0x99: {  	s4 =	simm.s32 $_scs_section_size  }
0x9a: {  	s5 =	simm.s32 $_size__tile_overlayer_lowered;
	s6 =	simm.s32 $_tile_overlayer_lowered  }
0x9b: {  	s22 =	simm.s32 $0x1BFF;
	s21 =	sshll.u32 s6, $0x1;
	s3 =	sadd.s32 s4, s19  }
0x9c: {  	s7 =	simm.s32 $0x0;
	s20 =	sshll.u32 s5, $0x1;
	s5 =	sadd.s32 s21, s3  }
0x9d: {  	[timem:s7], [sflag:s22] =	dma.local [hbm:s5], s20  }
0x9e: {  	_ =	swait.ge [sflag:s22], s20  }
0x9f: {  	s4 =	ssub.s32 $0x0, s20;
	[sflag:s22] =	ssyncset.done $0x0  }
0xa0: {  	[sflag:s22] =	ssyncadd.s32 s4;
	_ =	sdelay $0x1  }
0xa1: {  	s23 =	simm.s32 $0x1B8B  }
0xa2: {  	_ =	swait.ge [sflag:s23], $0x1  }
0xa3: {  	[sflag:s23] =	ssyncset.done $0x0  }
0xa4: {  	s25 =	simm.s32 $0x1B8E;
	s24 =	sld [smem:$0x3FFE];
	[sflag:s23] =	ssyncadd.s32 $0xFFFFFFFF  }
0xa5: {  	s26 =	simm.s32 $execute0_lowered;
	[smem:$0x3FD2] =	sst s25  }
0xa6: {  	s5 =	sshll.u32 s26, $0x1;
	_ =	strace $0x80000046;
	[dreg:$0x1] =	wrdreg $0xFFFFFFFF  }
0xa7: {  	s28 =	simm.s32 $_size_execute0_lowered;
	s3 =	sadd.s32 s3, s5;
	[dreg:$0x0] =	wrdreg $0x0  }
0xa8: {  	s5 =	sshll.u32 s28, $0x1;
	[dreg:$0x2] =	wrdreg s3  }
0xa9: {  	[dreg:$0x3] =	wrdreg s5  }
0xaa: {  	[dreg:$0x4] =	wrdreg $0xC0  }
0xab: {  	_ =	task [dreg:s7], $0x5FFFF  }
0xac: {  	[dreg:$0x1] =	wrdreg $0xFFFFFFFF  }
0xad: {  	[dreg:$0x0] =	wrdreg $0x60  }
0xae: {  	[dreg:$0x2] =	wrdreg s24  }
0xaf: {  	[dreg:$0x3] =	wrdreg s2  }
0xb0: {  	[dreg:$0x4] =	wrdreg $0x0  }
0xb1: {  	[dreg:$0x5] =	wrdreg $0x9  }
0xb2: {  	_ =	task.clear_ibuf [dreg:s7], $0x6FFFF;
	_ =	strace $0x90000046  }
0xb3: {  	s29 =	simm.s32 $0x9;
	_ =	strace $0x80000048  }
0xb4: {  	_ =	swait.ge [sflag:s29], $0x1  }
0xb5: {  	[sflag:s29] =	ssyncadd.s32 $0xFFFFFFFF  }
0xb6: {  	_ =	strace $0x90000048  }
0xb7: {  	_ =	sfence  }
0xb8: {  	s30 =	sld [smem:$0x0];
	_ =	sdelay $0x2  }
0xb9: {  	s31 =	sshll.u32 s1, $0xD;
	s1 =	sshrl.u32 s1, $0x2  }
0xba: {  	s3 =	sand.u32 $0x4000, s31;
	s1 =	sadd.s32 s1, s30  }
0xbb: {  	s0 =	sor.u32 s3, s0;
	s1 =	sshll.u32 s1, $0x11  }
0xbc: {  	s0 =	sor.u32 s1, s0  }
0xbd: {  	s0 =	sadd.s32 $0x8F2B, s0  }
0xbe: {  	[sflag:s0] =	ssyncadd.remote.s32 $0x1  }
0xbf: {  	_ =	sfence.sel $0xFFFF  }
0xc0: {  	[dreg:$0x0] =	wrdreg $0xFFFFFFFF;
	(pc) =	sbr.abs _section_cstart, $3  }
0xc1: {  	[dreg:$0x1] =	wrdreg $0xFFFFFFFF  }
0xc2: {  	_ =	task.clear_ibuf [dreg:s7], $0x2FFFF;
	_ =	strace $0x9FFFFFFF  }
0xc3: {  	(tm) =	ssettm $0x7FFFFFFF  }
tec
execute0_lowered:
.L_overlay_start_1:
0x0: {  	(tag) =	ssettag $0x1  }
0x1: {  	s0 =	stileid.u32  }
0x2: {  	s3 =	rddreg [dreg:$0x0];
	s12 =	smul.u32 $0x640, s0  }
0x3: {  	s4 =	srdreg.scid;
	s22 =	smul.u32 $0x32000, s0  }
0x4: {  	s5 =	rddreg [dreg:$0x1];
	s6 =	sand.u32 $0x1, s4;
	s25 =	smul.u32 $0x6400, s0  }
0x5: {  	s1 =	rddreg [dreg:$0x2];
	s2 =	simm.s32 $0x0;
	s23 =	smul.u32 $0x19000, s6  }
0x6: {  	s28 =	simm.s32 $0x80;
	s29 =	simm.s32 $0x8700;
	s24 =	smul.u32 $0x320, s6  }
0x7: {  	s31 =	simm.s32 $0x680;
	s15 =	sshll.u32 s0, $0x1;
	s26 =	smul.u32 $0x3200, s6  }
0x8: {  	s7 =	sor.u32 s6, s15;
	s8 =	ssub.s32 $0x2, s6;
	s6 =	smul.u32 $0x190000, s6  }
0x9: {  	[smem:$0x7FF] =	sst s2;
	s16 =	sadd.s32 $0x64C00, s3;
	s9 =	smul.u32 $0x320, s7  }
0xa: {  	s30 =	sadd.s32 $0xC00, s3;
	s20 =	sadd.s32 $0x800, s5;
	s11 =	smul.u32 $0x3200, s7  }
0xb: {  	p0 =	sne.s32 s0, $0x0;
	_ =	strace $0x80000047;
	s18 =	smul.u32 $0x190000, s7  }
0xc: {  	[dreg:$0x7] =	wrdreg s16;
	s10 =	sshrl.u32 s8, $0x1;
	s7 =	smul.u32 $0xC80000, s7  }
0xd: {  	s3 =	ssub.s32 s8, s10;
	s17 =	sshll.u32 s9, $0x4;
	s11 =	sadd.s32 s30, s11  }
0xe: {  	s13 =	sadd.s32 s5, s18;
	s10 =	sadd.s32 s18, s20;
	s7 =	sshrl.u32 s7, $0x3  }
0xf: {  	s4 =	smin.u32 s9, $0x60DC;
	s9 =	smin.u32 s9, $0x60DA;
	[dreg:$0x8] =	wrdreg s11  }
0x10: {  	s3 =	smax.u32 s3, $0x1;
	s8 =	sadd.s32 s17, s30;
	[dreg:$0xc] =	wrdreg s10  }
0x11: {  	s11 =	sadd.s32 $0x20, s11;
	s14 =	sadd.s32 $0x1000, s13;
	[dreg:$0xb] =	wrdreg s13  }
0x12: {  	s13 =	sadd.s32 $0x1800, s13;
	s7 =	sadd.s32 s5, s7;
	s10 =	sadd.s32 s23, s22  }
0x13: {  	s17 =	smul.u32 $0x320000, s0;
	s9 =	sshll.u32 s9, $0x4;
	[dreg:$0x17] =	wrdreg s3  }
0x14: {  	s0 =	simm.s32 $0xB;
	s3 =	simm.s32 $0x0;
	[dreg:$0x9] =	wrdreg s11  }
0x15: {  	s19 =	sadd.s32 $0x40, s8;
	s21 =	sadd.s32 $0x60, s8;
	[dreg:$0xe] =	wrdreg s14  }
0x16: {  	[dreg:$0xf] =	wrdreg s13;
	s8 =	sadd.s32 $0x80, s8;
	s10 =	sshll.u32 s10, $0x4  }
0x17: {  	s14 =	sadd.s32 s25, s30;
	s18 =	sadd.s32 $0x18E000, s7;
	[dreg:$0xa] =	wrdreg s19  }
0x18: {  	s9 =	sadd.s32 s9, s30;
	s22 =	sadd.s32 $0x18F800, s7;
	[dreg:$0xd] =	wrdreg s21  }
0x19: {  	s11 =	simm.s32 $0xC700;
	s13 =	simm.s32 $0x14700;
	[dreg:$0x10] =	wrdreg s8  }
0x1a: {  	s8 =	sadd.s32 s24, s12;
	s10 =	sadd.s32 s10, s20;
	s15 =	sadd.s32 s26, s14  }
0x1b: {  	[dreg:$0x11] =	wrdreg s18;
	s19 =	sshll.u32 s4, $0x4;
	s5 =	sadd.s32 s17, s5  }
0x1c: {  	s20 =	sadd.s32 $0x18E800, s7;
	s21 =	sadd.s32 $0x18F000, s7;
	[dreg:$0x15] =	wrdreg s22  }
0x1d: {  	s23 =	sadd.s32 $0x3240, s9;
	s4 =	simm.s32 $0x580;
	s9 =	simm.s32 $0x1  }
0x1e: {  	s14 =	simm.s32 $0x4;
	s17 =	simm.s32 $0x6;
	[dreg:$0x12] =	wrdreg s20  }
0x1f: {  	s18 =	simm.s32 $0x8;
	s16 =	sadd.s32 $0x4000, s10;
	[dreg:$0x14] =	wrdreg s21  }
0x20: {  	s12 =	sadd.s32 s19, s30;
	s5 =	sadd.s32 s6, s5;
	[dreg:$0x16] =	wrdreg s23  }
0x21: {  	s24 =	sadd.s32 $0x3000, s10;
	s25 =	sor.u32 $0xE, s8;
	[dreg:$0x4] =	wrdreg s16  }
0x22: {  	s26 =	sadd.s32 $0xC0, s15;
	s10 =	simm.s32 $0x2;
	[dreg:$0x5] =	wrdreg s5  }
0x23: {  	s8 =	simm.s32 $0x3;
	s15 =	simm.s32 $0x7;
	[dreg:$0x18] =	wrdreg s25  }
0x24: {  	s19 =	simm.s32 $0x9;
	s12 =	sadd.s32 $0x3220, s12;
	[dreg:$0x19] =	wrdreg s26  }
0x25: {  	[dreg:$0x6] =	wrdreg s24;
	s26 =	simm.s32 $0xA;
	s5 =	simm.s32 $0xC  }
0x26: {  	s16 =	simm.s32 $0x5;
	s25 =	simm.s32 $0x500;
	[dreg:$0x13] =	wrdreg s12  }
.LBB2_1:
0x27: {  	[dreg:$0x1a] =	wrdreg s3  }
0x28: {  	s6 =	sshrl.u32 @!p0 s1, $0x3;
	s20 =	simm.s32 @!p0 $0x1C0D;
	s12 =	rddreg [dreg:$0x7]  }
0x29: {  	[spmem:s6], [sflag:s20] =	dma.local @!p0 [hbm:s12], $0x800  }
0x2a: {  	s6 =	simm.s32 @!p0 $0xD  }
0x2b: {  	_ =	swait.ge @!p0 [sflag:s6], $0x800  }
0x2c: {  	[sflag:s6] =	ssyncset.done @!p0 $0x0  }
0x2d: {  	[sflag:s6] =	ssyncadd.s32 @!p0 $0xFFFFF800  }
0x2e: {  	[bflag:$0x0] =	sbarrier.arrive $0xFFFF  }
0x2f: {  	s21 =	simm.s32 $0x400;
	s23 =	rddreg [dreg:$0x8]  }
0x30: {  	[tilespmem:s21], [sflag:$0xA] =	stream.linear.gather [hbm4b:s23+s2], $0x100, $0x38;
	[tilespmem:$0x18700] =	vst v63  }
0x31: {  	s22 =	simm.s32 $0x500;
	s24 =	rddreg [dreg:$0x9]  }
0x32: {  	[tilespmem:s22], [sflag:$0xB] =	stream.linear.gather [hbm4b:s24+s2], $0x100, $0x38;
	[tilespmem:$0x18700] =	vst v63  }
0x33: {  	s3 =	rddreg [dreg:$0xa];
	s23 =	simm.s32 $0x600  }
0x34: {  	[tilespmem:s23], [sflag:$0xC] =	stream.linear.gather [hbm4b:s3+s2], $0x100, $0x38;
	[tilespmem:$0x18700] =	vst v63  }
0x35: {  	_ =	swait.ge [sflag:s26], $0x100  }
0x36: {  	[sflag:s26] =	ssyncset.done $0x0  }
0x37: {  	s24 =	simm.s32 $0x700;
	[sflag:s26] =	ssyncadd.s32 $0xFFFFFF00  }
0x38: {  	[tilespmem:s24], [sflag:$0x1] =	stream.indirect.gather [spmem:s1], $0x80, s21, s28, $0xb8;
	[tilespmem:$0x18700] =	vst v63  }
0x39: {  	s12 =	simm.s32 $0x480;
	s3 =	simm.s32 $0x4700  }
0x3a: {  	[tilespmem:s3], [sflag:$0x2] =	stream.indirect.gather [spmem:s1], $0x80, s12, s28, $0xb8;
	[tilespmem:$0x18700] =	vst v63  }
0x3b: {  	_ =	swait.ge [sflag:s0], $0x100  }
0x3c: {  	[sflag:s0] =	ssyncset.done $0x0  }
0x3d: {  	[sflag:s0] =	ssyncadd.s32 $0xFFFFFF00  }
0x3e: {  	[tilespmem:s29], [sflag:$0x3] =	stream.indirect.gather [spmem:s1], $0x80, s22, s28, $0xb8;
	[tilespmem:$0x18700] =	vst v63  }
0x3f: {  	_ = 	snop  }
0x40: {  	[tilespmem:s11], [sflag:$0x4] =	stream.indirect.gather [spmem:s1], $0x80, s4, s28, $0xb8;
	[tilespmem:$0x18700] =	vst v63  }
0x41: {  	_ =	swait.ge [sflag:s9], $0x4000  }
0x42: {  	[sflag:s9] =	ssyncset.done $0x0  }
0x43: {  	s7 =	rddreg [dreg:$0xb];
	[sflag:s9] =	ssyncadd.s32 $0xFFFFC000  }
0x44: {  	[hbm4b:s7+s2] =	stream.linear.scatter [tilespmem:s24], [sflag:$0x7], $0x4000, $0x38;
	[tilespmem:$0x18700] =	vst v63  }
0x45: {  	_ =	swait.ge [sflag:s10], $0x4000  }
0x46: {  	[sflag:s10] =	ssyncset.done $0x0  }
0x47: {  	s20 =	rddreg [dreg:$0xc];
	[sflag:s10] =	ssyncadd.s32 $0xFFFFC000  }
0x48: {  	[hbm4b:s20+s2] =	stream.linear.scatter [tilespmem:s3], [sflag:$0x7], $0x4000, $0x38;
	[tilespmem:$0x18700] =	vst v63  }
0x49: {  	s7 =	rddreg [dreg:$0xd]  }
0x4a: {  	[tilespmem:s21], [sflag:$0xA] =	stream.linear.gather [hbm4b:s7+s2], $0x100, $0x38;
	[tilespmem:$0x18700] =	vst v63  }
0x4b: {  	_ =	swait.ge [sflag:s5], $0x100  }
0x4c: {  	[sflag:s5] =	ssyncset.done $0x0  }
0x4d: {  	s7 =	simm.s32 $0x10700;
	[sflag:s5] =	ssyncadd.s32 $0xFFFFFF00  }
0x4e: {  	[tilespmem:s7], [sflag:$0x5] =	stream.indirect.gather [spmem:s1], $0x80, s23, s28, $0xb8;
	[tilespmem:$0x18700] =	vst v63  }
0x4f: {  	_ = 	snop  }
0x50: {  	[tilespmem:s13], [sflag:$0x6] =	stream.indirect.gather [spmem:s1], $0x80, s31, s28, $0xb8;
	[tilespmem:$0x18700] =	vst v63  }
0x51: {  	_ =	swait.ge [sflag:s8], $0x4000  }
0x52: {  	[sflag:s8] =	ssyncset.done $0x0  }
0x53: {  	s20 =	rddreg [dreg:$0xe];
	[sflag:s8] =	ssyncadd.s32 $0xFFFFC000  }
0x54: {  	[hbm4b:s20+s2] =	stream.linear.scatter [tilespmem:s29], [sflag:$0x8], $0x4000, $0x38;
	[tilespmem:$0x18700] =	vst v63  }
0x55: {  	_ =	swait.ge [sflag:s14], $0x4000  }
0x56: {  	[sflag:s14] =	ssyncset.done $0x0  }
0x57: {  	s20 =	rddreg [dreg:$0xf];
	[sflag:s14] =	ssyncadd.s32 $0xFFFFC000  }
0x58: {  	[hbm4b:s20+s2] =	stream.linear.scatter [tilespmem:s11], [sflag:$0x8], $0x4000, $0x38;
	[tilespmem:$0x18700] =	vst v63  }
0x59: {  	s20 =	rddreg [dreg:$0x10]  }
0x5a: {  	[tilespmem:s22], [sflag:$0xB] =	stream.linear.gather [hbm4b:s20+s2], $0x100, $0x38;
	[tilespmem:$0x18700] =	vst v63  }
0x5b: {  	_ =	swait.ge [sflag:s15], $0x8000  }
0x5c: {  	[sflag:s15] =	ssyncset.done $0x0  }
0x5d: {  	[sflag:s15] =	ssyncadd.s32 $0xFFFF8000  }
0x5e: {  	_ =	swait.ge [sflag:s26], $0x100  }
0x5f: {  	[sflag:s26] =	ssyncset.done $0x0  }
0x60: {  	[sflag:s26] =	ssyncadd.s32 $0xFFFFFF00  }
0x61: {  	[tilespmem:s24], [sflag:$0x1] =	stream.indirect.gather [spmem:s1], $0x80, s21, s28, $0xb8;
	[tilespmem:$0x18700] =	vst v63  }
0x62: {  	_ = 	snop  }
0x63: {  	[tilespmem:s3], [sflag:$0x2] =	stream.indirect.gather [spmem:s1], $0x80, s12, s28, $0xb8;
	[tilespmem:$0x18700] =	vst v63  }
0x64: {  	_ =	swait.ge [sflag:s16], $0x4000  }
0x65: {  	s20 =	rddreg [dreg:$0x5]  }
0x66: {  	[sflag:s16] =	ssyncset.done $0x0;
	s6 =	sadd.s32 $0x0, s20  }
0x67: {  	[sflag:s16] =	ssyncadd.s32 $0xFFFFC000;
	s12 =	sadd.s32 $0x2000, s6  }
0x68: {  	[hbm4b:s12+s2] =	stream.linear.scatter [tilespmem:s7], [sflag:$0x9], $0x4000, $0x38;
	[tilespmem:$0x18700] =	vst v63  }
0x69: {  	_ =	swait.ge [sflag:s17], $0x4000  }
0x6a: {  	[sflag:s17] =	ssyncset.done $0x0  }
0x6b: {  	s12 =	sadd.s32 $0x2800, s6;
	[sflag:s17] =	ssyncadd.s32 $0xFFFFC000  }
0x6c: {  	[hbm4b:s12+s2] =	stream.linear.scatter [tilespmem:s13], [sflag:$0x9], $0x4000, $0x38;
	[tilespmem:$0x18700] =	vst v63  }
0x6d: {  	s12 =	rddreg [dreg:$0x19]  }
0x6e: {  	s20 =	sadd.s32 $0xFFFFFFE0, s12  }
0x6f: {  	[tilespmem:s23], [sflag:$0xC] =	stream.linear.gather [hbm4b:s20+s2], $0x100, $0x38;
	[tilespmem:$0x18700] =	vst v63  }
0x70: {  	_ =	swait.ge [sflag:s18], $0x8000  }
0x71: {  	[sflag:s18] =	ssyncset.done $0x0  }
0x72: {  	[sflag:s18] =	ssyncadd.s32 $0xFFFF8000  }
0x73: {  	_ =	swait.ge [sflag:s0], $0x100  }
0x74: {  	[sflag:s0] =	ssyncset.done $0x0  }
0x75: {  	[sflag:s0] =	ssyncadd.s32 $0xFFFFFF00  }
0x76: {  	[tilespmem:s29], [sflag:$0x3] =	stream.indirect.gather [spmem:s1], $0x80, s22, s28, $0xb8;
	[tilespmem:$0x18700] =	vst v63  }
0x77: {  	_ = 	snop  }
0x78: {  	[tilespmem:s11], [sflag:$0x4] =	stream.indirect.gather [spmem:s1], $0x80, s4, s28, $0xb8;
	[tilespmem:$0x18700] =	vst v63  }
0x79: {  	_ =	swait.ge [sflag:s9], $0x4000  }
0x7a: {  	[sflag:s9] =	ssyncset.done $0x0  }
0x7b: {  	s22 =	sadd.s32 $0x3000, s6;
	[sflag:s9] =	ssyncadd.s32 $0xFFFFC000  }
0x7c: {  	[hbm4b:s22+s2] =	stream.linear.scatter [tilespmem:s24], [sflag:$0x7], $0x4000, $0x38;
	[tilespmem:$0x18700] =	vst v63  }
0x7d: {  	_ =	swait.ge [sflag:s10], $0x4000  }
0x7e: {  	s24 =	rddreg [dreg:$0x6];
	[sflag:s10] =	ssyncset.done $0x0  }
0x7f: {  	[sflag:s10] =	ssyncadd.s32 $0xFFFFC000;
	s20 =	sadd.s32 $0x0, s24  }
0x80: {  	[hbm4b:s20+s2] =	stream.linear.scatter [tilespmem:s3], [sflag:$0x7], $0x4000, $0x38;
	[tilespmem:$0x18700] =	vst v63  }
0x81: {  	_ = 	snop  }
0x82: {  	[tilespmem:s21], [sflag:$0xA] =	stream.linear.gather [hbm4b:s12+s2], $0x100, $0x38;
	[tilespmem:$0x18700] =	vst v63  }
0x83: {  	_ =	swait.ge [sflag:s19], $0x8000  }
0x84: {  	[sflag:s19] =	ssyncset.done $0x0  }
0x85: {  	[sflag:s19] =	ssyncadd.s32 $0xFFFF8000  }
0x86: {  	_ =	swait.ge [sflag:s5], $0x100  }
0x87: {  	[sflag:s5] =	ssyncset.done $0x0  }
0x88: {  	[sflag:s5] =	ssyncadd.s32 $0xFFFFFF00  }
0x89: {  	[tilespmem:s7], [sflag:$0x5] =	stream.indirect.gather [spmem:s1], $0x80, s23, s28, $0xb8;
	[tilespmem:$0x18700] =	vst v63  }
0x8a: {  	_ = 	snop  }
0x8b: {  	[tilespmem:s13], [sflag:$0x6] =	stream.indirect.gather [spmem:s1], $0x80, s31, s28, $0xb8;
	[tilespmem:$0x18700] =	vst v63  }
0x8c: {  	_ =	swait.ge [sflag:s8], $0x4000  }
0x8d: {  	[sflag:s8] =	ssyncset.done $0x0  }
0x8e: {  	s6 =	sadd.s32 $0x4000, s6;
	[sflag:s8] =	ssyncadd.s32 $0xFFFFC000  }
0x8f: {  	[hbm4b:s6+s2] =	stream.linear.scatter [tilespmem:s29], [sflag:$0x8], $0x4000, $0x38;
	[tilespmem:$0x18700] =	vst v63  }
0x90: {  	_ =	swait.ge [sflag:s14], $0x4000  }
0x91: {  	s22 =	rddreg [dreg:$0x18]  }
0x92: {  	s31 =	rddreg [dreg:$0x4];
	[sflag:s14] =	ssyncset.done $0x0;
	p1 =	slt.s32 s22, $0x63FE  }
0x93: {  	[sflag:s14] =	ssyncadd.s32 $0xFFFFC000;
	s6 =	sadd.s32 $0x0, s31;
	s20 =	smov.u32 s22  }
0x94: {  	[hbm4b:s6+s2] =	stream.linear.scatter [tilespmem:s11], [sflag:$0x8], $0x4000, $0x38;
	[tilespmem:$0x18700] =	vst v63  }
0x95: {  	s20 =	simm.s32 @!p1 $0x63FE  }
0x96: {  	s21 =	simm.s32 $0x3000;
	s6 =	sshll.u32 s20, $0x4;
	s20 =	smov.u32 s12  }
.LBB2_2:
0x97: {  	s6 =	sadd.s32 s30, s6;
	s29 =	simm.s32 $0x500  }
0x98: {  	[tilespmem:s29], [sflag:$0xB] =	stream.linear.gather [hbm4b:s6+s2], $0x100, $0x38;
	[tilespmem:$0x18700] =	vst v63  }
0x99: {  	_ =	swait.ge [sflag:s15], $0x8000  }
0x9a: {  	[sflag:s15] =	ssyncset.done $0x0  }
0x9b: {  	[sflag:s15] =	ssyncadd.s32 $0xFFFF8000  }
0x9c: {  	_ =	swait.ge [sflag:s26], $0x100  }
0x9d: {  	[sflag:s26] =	ssyncset.done $0x0  }
0x9e: {  	s24 =	simm.s32 $0x400;
	s3 =	simm.s32 $0x700;
	[sflag:s26] =	ssyncadd.s32 $0xFFFFFF00  }
0x9f: {  	[tilespmem:s3], [sflag:$0x1] =	stream.indirect.gather [spmem:s1], $0x80, s24, s28, $0xb8;
	[tilespmem:$0x18700] =	vst v63  }
0xa0: {  	s4 =	simm.s32 $0x480;
	s7 =	simm.s32 $0x4700  }
0xa1: {  	[tilespmem:s7], [sflag:$0x2] =	stream.indirect.gather [spmem:s1], $0x80, s4, s28, $0xb8;
	[tilespmem:$0x18700] =	vst v63  }
0xa2: {  	_ =	swait.ge [sflag:s16], $0x4000  }
0xa3: {  	s23 =	smov.u32 s30;
	s30 =	smov.u32 s21;
	s12 =	rddreg [dreg:$0x5]  }
0xa4: {  	[sflag:s16] =	ssyncset.done $0x0;
	s6 =	sadd.s32 s30, s12  }
0xa5: {  	s4 =	simm.s32 $0x10700;
	[sflag:s16] =	ssyncadd.s32 $0xFFFFC000;
	s12 =	sadd.s32 $0x2000, s6  }
0xa6: {  	[hbm4b:s12+s2] =	stream.linear.scatter [tilespmem:s4], [sflag:$0x9], $0x4000, $0x38;
	[tilespmem:$0x18700] =	vst v63  }
0xa7: {  	_ =	swait.ge [sflag:s17], $0x4000  }
0xa8: {  	[sflag:s17] =	ssyncset.done $0x0  }
0xa9: {  	s20 =	sadd.s32 $0x60, s20;
	s12 =	sadd.s32 $0x2800, s6;
	[sflag:s17] =	ssyncadd.s32 $0xFFFFC000  }
0xaa: {  	[hbm4b:s12+s2] =	stream.linear.scatter [tilespmem:s13], [sflag:$0x9], $0x4000, $0x38;
	[tilespmem:$0x18700] =	vst v63  }
0xab: {  	s31 =	simm.s32 $0x600;
	s12 =	sadd.s32 $0xFFFFFFE0, s20  }
0xac: {  	[tilespmem:s31], [sflag:$0xC] =	stream.linear.gather [hbm4b:s12+s2], $0x100, $0x38;
	[tilespmem:$0x18700] =	vst v63  }
0xad: {  	_ =	swait.ge [sflag:s18], $0x8000  }
0xae: {  	[sflag:s18] =	ssyncset.done $0x0  }
0xaf: {  	[sflag:s18] =	ssyncadd.s32 $0xFFFF8000  }
0xb0: {  	_ =	swait.ge [sflag:s0], $0x100  }
0xb1: {  	[sflag:s0] =	ssyncset.done $0x0  }
0xb2: {  	s11 =	simm.s32 $0x8700;
	[sflag:s0] =	ssyncadd.s32 $0xFFFFFF00  }
0xb3: {  	[tilespmem:s11], [sflag:$0x3] =	stream.indirect.gather [spmem:s1], $0x80, s29, s28, $0xb8;
	[tilespmem:$0x18700] =	vst v63  }
0xb4: {  	s12 =	simm.s32 $0x580;
	s11 =	simm.s32 $0xC700  }
0xb5: {  	[tilespmem:s11], [sflag:$0x4] =	stream.indirect.gather [spmem:s1], $0x80, s12, s28, $0xb8;
	[tilespmem:$0x18700] =	vst v63  }
0xb6: {  	_ =	swait.ge [sflag:s9], $0x4000  }
0xb7: {  	[sflag:s9] =	ssyncset.done $0x0  }
0xb8: {  	s12 =	sadd.s32 $0x3000, s6;
	[sflag:s9] =	ssyncadd.s32 $0xFFFFC000  }
0xb9: {  	[hbm4b:s12+s2] =	stream.linear.scatter [tilespmem:s3], [sflag:$0x7], $0x4000, $0x38;
	[tilespmem:$0x18700] =	vst v63  }
0xba: {  	_ =	swait.ge [sflag:s10], $0x4000  }
0xbb: {  	s3 =	rddreg [dreg:$0x6];
	[sflag:s10] =	ssyncset.done $0x0  }
0xbc: {  	[sflag:s10] =	ssyncadd.s32 $0xFFFFC000;
	s12 =	sadd.s32 s30, s3  }
0xbd: {  	[hbm4b:s12+s2] =	stream.linear.scatter [tilespmem:s7], [sflag:$0x7], $0x4000, $0x38;
	[tilespmem:$0x18700] =	vst v63  }
0xbe: {  	_ = 	snop  }
0xbf: {  	[tilespmem:s24], [sflag:$0xA] =	stream.linear.gather [hbm4b:s20+s2], $0x100, $0x38;
	[tilespmem:$0x18700] =	vst v63  }
0xc0: {  	_ =	swait.ge [sflag:s19], $0x8000  }
0xc1: {  	[sflag:s19] =	ssyncset.done $0x0  }
0xc2: {  	[sflag:s19] =	ssyncadd.s32 $0xFFFF8000  }
0xc3: {  	_ =	swait.ge [sflag:s5], $0x100  }
0xc4: {  	[sflag:s5] =	ssyncset.done $0x0  }
0xc5: {  	[sflag:s5] =	ssyncadd.s32 $0xFFFFFF00  }
0xc6: {  	[tilespmem:s4], [sflag:$0x5] =	stream.indirect.gather [spmem:s1], $0x80, s31, s28, $0xb8;
	[tilespmem:$0x18700] =	vst v63  }
0xc7: {  	s31 =	simm.s32 $0x680  }
0xc8: {  	[tilespmem:s13], [sflag:$0x6] =	stream.indirect.gather [spmem:s1], $0x80, s31, s28, $0xb8;
	[tilespmem:$0x18700] =	vst v63  }
0xc9: {  	s22 =	sadd.s32 $0x6, s22;
	p1 =	sne.s32 s21, $0x189000;
	_ =	swait.ge [sflag:s8], $0x4000  }
0xca: {  	s21 =	sadd.s32 $0x3000, s21;
	p2 =	slt.s32 s22, $0x63FE;
	[sflag:s8] =	ssyncset.done $0x0  }
0xcb: {  	s29 =	simm.s32 $0x8700;
	s6 =	sadd.s32 $0x4000, s6;
	[sflag:s8] =	ssyncadd.s32 $0xFFFFC000  }
0xcc: {  	[hbm4b:s6+s2] =	stream.linear.scatter [tilespmem:s29], [sflag:$0x8], $0x4000, $0x38;
	[tilespmem:$0x18700] =	vst v63  }
.Ltmp0:
0xcd: {  	s7 =	simm.s32 $0x10700;
	_ =	swait.ge [sflag:s14], $0x4000;
	(pc) =	sbr.rel @p1 .LBB2_2-.Ltmp0, $4  }
0xce: {  	s12 =	smov.u32 s22;
	s4 =	rddreg [dreg:$0x4];
	[sflag:s14] =	ssyncset.done $0x0  }
0xcf: {  	s12 =	simm.s32 @!p2 $0x63FE;
	[sflag:s14] =	ssyncadd.s32 $0xFFFFC000;
	s30 =	sadd.s32 s30, s4  }
0xd0: {  	[hbm4b:s30+s2] =	stream.linear.scatter [tilespmem:s11], [sflag:$0x8], $0x4000, $0x38;
	[tilespmem:$0x18700] =	vst v63  }
0xd1: {  	s24 =	simm.s32 $0x600;
	s6 =	sshll.u32 s12, $0x4;
	s30 =	smov.u32 s23  }
0xd2: {  	s6 =	sadd.s32 s30, s6  }
0xd3: {  	[tilespmem:s25], [sflag:$0xB] =	stream.linear.gather [hbm4b:s6+s2], $0x100, $0x38;
	[tilespmem:$0x18700] =	vst v63  }
0xd4: {  	_ =	swait.ge [sflag:s15], $0x8000  }
0xd5: {  	[sflag:s15] =	ssyncset.done $0x0  }
0xd6: {  	[sflag:s15] =	ssyncadd.s32 $0xFFFF8000  }
0xd7: {  	_ =	swait.ge [sflag:s26], $0x100  }
0xd8: {  	[sflag:s26] =	ssyncset.done $0x0  }
0xd9: {  	s4 =	simm.s32 $0x400;
	s3 =	simm.s32 $0x700;
	[sflag:s26] =	ssyncadd.s32 $0xFFFFFF00  }
0xda: {  	[tilespmem:s3], [sflag:$0x1] =	stream.indirect.gather [spmem:s1], $0x80, s4, s28, $0xb8;
	[tilespmem:$0x18700] =	vst v63  }
0xdb: {  	s21 =	simm.s32 $0x480;
	s12 =	simm.s32 $0x4700  }
0xdc: {  	[tilespmem:s12], [sflag:$0x2] =	stream.indirect.gather [spmem:s1], $0x80, s21, s28, $0xb8;
	[tilespmem:$0x18700] =	vst v63  }
0xdd: {  	_ =	swait.ge [sflag:s16], $0x4000  }
0xde: {  	[sflag:s16] =	ssyncset.done $0x0  }
0xdf: {  	s22 =	rddreg [dreg:$0x11];
	[sflag:s16] =	ssyncadd.s32 $0xFFFFC000  }
0xe0: {  	[hbm4b:s22+s2] =	stream.linear.scatter [tilespmem:s7], [sflag:$0x9], $0x4000, $0x38;
	[tilespmem:$0x18700] =	vst v63  }
0xe1: {  	_ =	swait.ge [sflag:s17], $0x4000  }
0xe2: {  	[sflag:s17] =	ssyncset.done $0x0  }
0xe3: {  	s23 =	rddreg [dreg:$0x12];
	[sflag:s17] =	ssyncadd.s32 $0xFFFFC000  }
0xe4: {  	[hbm4b:s23+s2] =	stream.linear.scatter [tilespmem:s13], [sflag:$0x9], $0x4000, $0x38;
	[tilespmem:$0x18700] =	vst v63  }
0xe5: {  	s7 =	rddreg [dreg:$0x13]  }
0xe6: {  	[tilespmem:s24], [sflag:$0xC] =	stream.linear.gather [hbm4b:s7+s2], $0x100, $0x38;
	[tilespmem:$0x18700] =	vst v63  }
0xe7: {  	_ =	swait.ge [sflag:s9], $0x4000  }
0xe8: {  	[sflag:s9] =	ssyncset.done $0x0  }
0xe9: {  	s20 =	rddreg [dreg:$0x14];
	[sflag:s9] =	ssyncadd.s32 $0xFFFFC000  }
0xea: {  	[hbm4b:s20+s2] =	stream.linear.scatter [tilespmem:s3], [sflag:$0x7], $0x4000, $0x38;
	[tilespmem:$0x18700] =	vst v63  }
0xeb: {  	_ =	swait.ge [sflag:s10], $0x4000  }
0xec: {  	[sflag:s10] =	ssyncset.done $0x0  }
0xed: {  	s21 =	rddreg [dreg:$0x15];
	[sflag:s10] =	ssyncadd.s32 $0xFFFFC000  }
0xee: {  	[hbm4b:s21+s2] =	stream.linear.scatter [tilespmem:s12], [sflag:$0x7], $0x4000, $0x38;
	[tilespmem:$0x18700] =	vst v63  }
0xef: {  	s22 =	rddreg [dreg:$0x16]  }
0xf0: {  	[tilespmem:s4], [sflag:$0xA] =	stream.linear.gather [hbm4b:s22+s2], $0x100, $0x38;
	[tilespmem:$0x18700] =	vst v63  }
0xf1: {  	_ =	swait.ge [sflag:s15], $0x8000  }
0xf2: {  	[sflag:s15] =	ssyncset.done $0x0  }
0xf3: {  	[sflag:s15] =	ssyncadd.s32 $0xFFFF8000  }
0xf4: {  	_ =	swait.ge [sflag:s26], $0x100  }
0xf5: {  	[sflag:s26] =	ssyncset.done $0x0  }
0xf6: {  	[sflag:s26] =	ssyncadd.s32 $0xFFFFFF00  }
0xf7: {  	_ =	swait.ge [sflag:s18], $0x8000  }
0xf8: {  	[sflag:s18] =	ssyncset.done $0x0  }
0xf9: {  	[sflag:s18] =	ssyncadd.s32 $0xFFFF8000  }
0xfa: {  	_ =	swait.ge [sflag:s0], $0x100  }
0xfb: {  	[sflag:s0] =	ssyncset.done $0x0  }
0xfc: {  	[sflag:s0] =	ssyncadd.s32 $0xFFFFFF00  }
0xfd: {  	_ =	swait.ge [sflag:s19], $0x8000  }
0xfe: {  	[sflag:s19] =	ssyncset.done $0x0  }
0xff: {  	[sflag:s19] =	ssyncadd.s32 $0xFFFF8000  }
0x100: {  	_ =	swait.ge [sflag:s5], $0x100  }
0x101: {  	s23 =	rddreg [dreg:$0x1a]  }
0x102: {  	s24 =	rddreg [dreg:$0x17];
	s3 =	sadd.s32 $0x1, s23  }
0x103: {  	p1 =	sne.s32 s3, s24  }
.Ltmp1:
0x104: {  	_ = 	snop;
	(pc) =	sbr.rel @p1 .LBB2_1-.Ltmp1, $3  }
0x105: {  	_ =	sdelay $0x1  }
0x106: {  	[sflag:s5] =	ssyncset.done $0x0  }
0x107: {  	s4 =	simm.s32 $0x580;
	[sflag:s5] =	ssyncadd.s32 $0xFFFFFF00  }
0x108: {  	_ =	sfence.sel $0x180000  }
0x109: {  	[bflag:$0x0] =	sbarrier.arrive $0xFFFF  }
0x10a: {  	_ =	strace $0x90000047  }
0x10b: {  	[bflag:$0x2] =	sbarrier.arrive $0xFFFF  }
0x10c: {  	s0 =	rddreg [dreg:$0x3]  }
0x10d: {  	s0 =	sadd.s32 @!p0 $0x100000, s0  }
0x10e: {  	[sflag:s0] =	ssyncadd.tile.s32 @!p0 $0x1;
	_ =	shalt  }
.Lfunc_end2:
_tile_overlayer_lowered:
.L_overlay_start_2:
0x10f: {  	(tag) =	ssettag $0x2  }
0x110: {  	s0 =	rddreg [dreg:$0x0];
	s2 =	stileid.u32  }
0x111: {  	s1 =	rddreg [dreg:$0x1];
	p0 =	sne.s32 s2, $0x0  }
0x112: {  	s3 =	rddreg [dreg:$0x2];
	[bflag:$0x3] =	sbarrier.arrive $0xFFFF;
	s2 =	simm.s32 @!p0 $0x1C0D  }
0x113: {  	[timem:s3], [sflag:s2] =	dma.local @!p0 [hbm:s0], s1  }
0x114: {  	s0 =	simm.s32 @!p0 $0xD  }
0x115: {  	_ =	swait.ge @!p0 [sflag:s0], s1  }
0x116: {  	s1 =	ssub.s32 @!p0 $0x0, s1;
	[sflag:s0] =	ssyncset.done @!p0 $0x0  }
0x117: {  	[sflag:s0] =	ssyncadd.s32 @!p0 s1  }
0x118: {  	[bflag:$0x3] =	sbarrier.arrive $0xFFFF  }
0x119: {  	_ =	shalt  }

</sc_bundles>
